<compile_context>
chip_gen: v7x
topology: tpu7x:2x2x1
jax: 0.10.2.dev20260603
libtpu: 0.0.44.dev20260713+nightly
codegen_flags: <defaults>
</compile_context>

<pallas_src>
import functools

import jax
import jax.numpy as jnp
from jax import lax
from jax.experimental import pallas as pl
from jax.experimental.pallas import tpu as pltpu
from jax.experimental.pallas import tpu_sc as plsc

NC, NS = 2, 16
NW = NC * NS

B, H, D = 4096, 50, 128
ROWS = B * H
RPW = ROWS // NW
CHUNK = 128
NCH = RPW // CHUNK
NBUF = 5

_mesh = plsc.VectorSubcoreMesh(
    core_axis_name="c", subcore_axis_name="s", num_cores=NC, num_subcores=NS
)


@functools.partial(
    pl.kernel,
    out_type=jax.ShapeDtypeStruct((ROWS, D), jnp.float32),
    mesh=_mesh,
    compiler_params=pltpu.CompilerParams(needs_layout_passes=False),
    scratch_types=[
        pltpu.VMEM((RPW,), jnp.int32),
        pltpu.VMEM((NBUF, CHUNK, D), jnp.float32),
        [pltpu.SemaphoreType.DMA] * NBUF,
        [pltpu.SemaphoreType.DMA] * NBUF,
    ],
)
def _row_gather(tidx_hbm, z_hbm, out_hbm, idx_v, in_v, sem_g, sem_o):
    wid = lax.axis_index("s") * NC + lax.axis_index("c")
    jbase = wid * RPW
    pltpu.sync_copy(tidx_hbm.at[pl.ds(jbase, RPW)], idx_v)

    def gather_start(ci, b):
        pltpu.make_async_copy(
            z_hbm.at[idx_v.at[pl.ds(ci * CHUNK, CHUNK)]], in_v.at[b], sem_g[b]
        ).start()

    def gather_wait(b):
        pltpu.make_async_copy(
            z_hbm.at[idx_v.at[pl.ds(0, CHUNK)]], in_v.at[b], sem_g[b]
        ).wait()

    def out_start(ci, b):
        pltpu.make_async_copy(
            in_v.at[b],
            out_hbm.at[pl.ds(jbase + ci * CHUNK, CHUNK), :],
            sem_o[b],
        ).start()

    def out_wait(b):
        pltpu.make_async_copy(
            in_v.at[b], out_hbm.at[pl.ds(0, CHUNK), :], sem_o[b]
        ).wait()

    for b in range(NBUF):
        gather_start(b, b)

    def ring_body(i, carry):
        for b in range(NBUF):
            ci = i * NBUF + b
            gather_wait(b)
            out_start(ci, b)

            @pl.when(ci + NBUF < NCH)
            def _():
                out_wait(b)
                gather_start(ci + NBUF, b)

        return carry

    lax.fori_loop(0, NCH // NBUF, ring_body, 0)
    for b in range(NBUF):
        out_wait(b)


def kernel(inputs, z):
    tidx = inputs.T.reshape(-1).astype(jnp.int32)
    rows = _row_gather(tidx, z)
    return rows.reshape(H, B, D).transpose(1, 2, 0)

# --- scband reference (transcript-rebuilt; emitter-appended) ---
"""Pipeline reference for scband-embedding-re-28406913696152 (READ-ONLY COPY).

The authoritative reference and input builder live on the scoring server;
editing this copy changes nothing except your own understanding.
"""

import jax, jax.numpy as jnp
import numpy as np

N_STIMULI = 100000
N_DIM = 128
BATCH = 4096
HIST = 50

def setup_inputs(seed: int = 0) -> dict:
    key = jax.random.key(seed)
    k1, k2 = jax.random.split(key)
    inputs = jax.random.randint(k1, (BATCH, HIST), 0, N_STIMULI, dtype=jnp.int64 if jax.config.jax_enable_x64 else jnp.int32)
    z = jax.random.normal(k2, (N_STIMULI, N_DIM), dtype=jnp.float32) * 0.02
    return {"inputs": inputs, "z": z}

def reference(inputs, z):
    # stimulus_set = inputs + 1 (shift to account for placeholder id -1 -> row 0)
    stimulus_set = inputs + jnp.asarray(1, dtype=inputs.dtype)
    # pad codebook with a zero row at index 0
    z_pad = jnp.concatenate([jnp.zeros((1, z.shape[1]), dtype=z.dtype), z], axis=0)
    batch_size = stimulus_set.shape[0]
    input_length = stimulus_set.shape[1]
    n_dim = z_pad.shape[1]
    flat_idx = stimulus_set.reshape(-1)
    z_set = jnp.take(z_pad, flat_idx, axis=0)
    z_set = z_set.reshape(batch_size, input_length, n_dim)
    z_set = jnp.transpose(z_set, (0, 2, 1))
    return z_set

if __name__ == "__main__":
    import jax
    _d = setup_inputs()
    print(jax.jit(kernel)(*tuple(_d.values())))

</pallas_src>

<mosaic_0001>
#map = affine_map<(d0, d1) -> (0)>
#map1 = affine_map<(d0, d1) -> (0, 0)>
module attributes {stable_mosaic.version = 14 : i64} {
  func.func @_row_gather(%arg0: i32, %arg1: i32, %arg2: memref<204800xi32, #tpu.memory_space<hbm>>, %arg3: memref<100000x128xf32, #tpu.memory_space<hbm>>, %arg4: memref<204800x128xf32, #tpu.memory_space<hbm>>, %arg5: memref<6400xi32, #tpu.memory_space<vmem>>, %arg6: memref<5x128x128xf32, #tpu.memory_space<vmem>>, %arg7: memref<!tpu.dma_semaphore, #tpu.memory_space<semaphore_mem>>, %arg8: memref<!tpu.dma_semaphore, #tpu.memory_space<semaphore_mem>>, %arg9: memref<!tpu.dma_semaphore, #tpu.memory_space<semaphore_mem>>, %arg10: memref<!tpu.dma_semaphore, #tpu.memory_space<semaphore_mem>>, %arg11: memref<!tpu.dma_semaphore, #tpu.memory_space<semaphore_mem>>, %arg12: memref<!tpu.dma_semaphore, #tpu.memory_space<semaphore_mem>>, %arg13: memref<!tpu.dma_semaphore, #tpu.memory_space<semaphore_mem>>, %arg14: memref<!tpu.dma_semaphore, #tpu.memory_space<semaphore_mem>>, %arg15: memref<!tpu.dma_semaphore, #tpu.memory_space<semaphore_mem>>, %arg16: memref<!tpu.dma_semaphore, #tpu.memory_space<semaphore_mem>>) attributes {dimension_semantics = [#tpu.dimension_semantics<core_parallel>, #tpu.dimension_semantics<subcore_parallel>], iteration_bounds = array<i64: 2, 16>, scalar_prefetch = 0 : i64, scratch_operands = 12 : i64, tpu.core_type = #tpu.core_type<sc_vector_subcore>, window_params = [{transform_indices = #map}, {transform_indices = #map1}, {transform_indices = #map1}]} {
    %mul3A = arith.constant 2 : i32
    %mul3A_0 = arith.muli %arg1, %mul3A : i32
    %add3A = arith.addi %mul3A_0, %arg0 : i32
    %mul3A_1 = arith.constant 6400 : i32
    %mul3A_2 = arith.muli %add3A, %mul3A_1 : i32
    "tpu.region"() ({
      %run_scoped3A = tpu.sem_alloc : memref<!tpu.dma_semaphore, #tpu.memory_space<semaphore_mem>>
      %dma_start3A_131 = tpu.memref_slice %arg2[%mul3A_2] : memref<204800xi32, #tpu.memory_space<hbm>> -> memref<6400xi32, #tpu.memory_space<hbm>>
      %dma_start3A_132 = tpu.memref_slice %arg2[%mul3A_2] : memref<204800xi32, #tpu.memory_space<hbm>> -> memref<6400xi32, #tpu.memory_space<hbm>>
      tpu.enqueue_dma source(%dma_start3A_132 : memref<6400xi32, #tpu.memory_space<hbm>>) target(%arg5 : memref<6400xi32, #tpu.memory_space<vmem>>) target_semaphore(%run_scoped3A : memref<!tpu.dma_semaphore, #tpu.memory_space<semaphore_mem>>)
      %dma_wait3A_133 = tpu.memref_slice %arg2[%mul3A_2] : memref<204800xi32, #tpu.memory_space<hbm>> -> memref<6400xi32, #tpu.memory_space<hbm>>
      %dma_wait3A_134 = tpu.memref_slice %arg2[%mul3A_2] : memref<204800xi32, #tpu.memory_space<hbm>> -> memref<6400xi32, #tpu.memory_space<hbm>>
      tpu.wait_dma2 semaphore(%run_scoped3A : memref<!tpu.dma_semaphore, #tpu.memory_space<semaphore_mem>>) src(%dma_wait3A_134 : memref<6400xi32, #tpu.memory_space<hbm>>) dst(%arg5 : memref<6400xi32, #tpu.memory_space<vmem>>)
      tpu.yield
    }) : () -> ()
    %dma_start3A = arith.constant 0 : i32
    %dma_start3A_3 = arith.constant 0 : i32
    %dma_start3A_4 = arith.constant 0 : i32
    %dma_start3A_5 = tpu.memref_slice %arg6[%dma_start3A, %dma_start3A_3, %dma_start3A_4] : memref<5x128x128xf32, #tpu.memory_space<vmem>> -> memref<1x128x128xf32, #tpu.memory_space<vmem>>
    %dma_start3A_6 = tpu.memref_squeeze %dma_start3A_5 : memref<1x128x128xf32, #tpu.memory_space<vmem>> -> memref<128x128xf32, #tpu.memory_space<vmem>>
    %dma_start3A_7 = arith.constant 0 : i32
    %dma_start3A_8 = tpu.memref_slice %arg5[%dma_start3A_7] : memref<6400xi32, #tpu.memory_space<vmem>> -> memref<128xi32, #tpu.memory_space<vmem>>
    %dma_start3A_9 = arith.constant 0 : i32
    %dma_start3A_10 = arith.constant 0 : i32
    %dma_start3A_11 = tpu.memref_slice %arg3[%dma_start3A_9, %dma_start3A_10] : memref<100000x128xf32, #tpu.memory_space<hbm>> -> memref<100000x128xf32, #tpu.memory_space<hbm>>
    tpu.enqueue_indirect_dma source(%dma_start3A_11 : memref<100000x128xf32, #tpu.memory_space<hbm>>) target(%dma_start3A_6 : memref<128x128xf32, #tpu.memory_space<vmem>>) offsets(%dma_start3A_8 : memref<128xi32, #tpu.memory_space<vmem>>) semaphore(%arg7 : memref<!tpu.dma_semaphore, #tpu.memory_space<semaphore_mem>>)
    %dma_start3A_12 = arith.constant 1 : i32
    %dma_start3A_13 = arith.constant 0 : i32
    %dma_start3A_14 = arith.constant 0 : i32
    %dma_start3A_15 = tpu.memref_slice %arg6[%dma_start3A_12, %dma_start3A_13, %dma_start3A_14] : memref<5x128x128xf32, #tpu.memory_space<vmem>> -> memref<1x128x128xf32, #tpu.memory_space<vmem>>
    %dma_start3A_16 = tpu.memref_squeeze %dma_start3A_15 : memref<1x128x128xf32, #tpu.memory_space<vmem>> -> memref<128x128xf32, #tpu.memory_space<vmem>>
    %dma_start3A_17 = arith.constant 128 : i32
    %dma_start3A_18 = tpu.memref_slice %arg5[%dma_start3A_17] : memref<6400xi32, #tpu.memory_space<vmem>> -> memref<128xi32, #tpu.memory_space<vmem>>
    %dma_start3A_19 = arith.constant 0 : i32
    %dma_start3A_20 = arith.constant 0 : i32
    %dma_start3A_21 = tpu.memref_slice %arg3[%dma_start3A_19, %dma_start3A_20] : memref<100000x128xf32, #tpu.memory_space<hbm>> -> memref<100000x128xf32, #tpu.memory_space<hbm>>
    tpu.enqueue_indirect_dma source(%dma_start3A_21 : memref<100000x128xf32, #tpu.memory_space<hbm>>) target(%dma_start3A_16 : memref<128x128xf32, #tpu.memory_space<vmem>>) offsets(%dma_start3A_18 : memref<128xi32, #tpu.memory_space<vmem>>) semaphore(%arg8 : memref<!tpu.dma_semaphore, #tpu.memory_space<semaphore_mem>>)
    %dma_start3A_22 = arith.constant 2 : i32
    %dma_start3A_23 = arith.constant 0 : i32
    %dma_start3A_24 = arith.constant 0 : i32
    %dma_start3A_25 = tpu.memref_slice %arg6[%dma_start3A_22, %dma_start3A_23, %dma_start3A_24] : memref<5x128x128xf32, #tpu.memory_space<vmem>> -> memref<1x128x128xf32, #tpu.memory_space<vmem>>
    %dma_start3A_26 = tpu.memref_squeeze %dma_start3A_25 : memref<1x128x128xf32, #tpu.memory_space<vmem>> -> memref<128x128xf32, #tpu.memory_space<vmem>>
    %dma_start3A_27 = arith.constant 256 : i32
    %dma_start3A_28 = tpu.memref_slice %arg5[%dma_start3A_27] : memref<6400xi32, #tpu.memory_space<vmem>> -> memref<128xi32, #tpu.memory_space<vmem>>
    %dma_start3A_29 = arith.constant 0 : i32
    %dma_start3A_30 = arith.constant 0 : i32
    %dma_start3A_31 = tpu.memref_slice %arg3[%dma_start3A_29, %dma_start3A_30] : memref<100000x128xf32, #tpu.memory_space<hbm>> -> memref<100000x128xf32, #tpu.memory_space<hbm>>
    tpu.enqueue_indirect_dma source(%dma_start3A_31 : memref<100000x128xf32, #tpu.memory_space<hbm>>) target(%dma_start3A_26 : memref<128x128xf32, #tpu.memory_space<vmem>>) offsets(%dma_start3A_28 : memref<128xi32, #tpu.memory_space<vmem>>) semaphore(%arg9 : memref<!tpu.dma_semaphore, #tpu.memory_space<semaphore_mem>>)
    %dma_start3A_32 = arith.constant 3 : i32
    %dma_start3A_33 = arith.constant 0 : i32
    %dma_start3A_34 = arith.constant 0 : i32
    %dma_start3A_35 = tpu.memref_slice %arg6[%dma_start3A_32, %dma_start3A_33, %dma_start3A_34] : memref<5x128x128xf32, #tpu.memory_space<vmem>> -> memref<1x128x128xf32, #tpu.memory_space<vmem>>
    %dma_start3A_36 = tpu.memref_squeeze %dma_start3A_35 : memref<1x128x128xf32, #tpu.memory_space<vmem>> -> memref<128x128xf32, #tpu.memory_space<vmem>>
    %dma_start3A_37 = arith.constant 384 : i32
    %dma_start3A_38 = tpu.memref_slice %arg5[%dma_start3A_37] : memref<6400xi32, #tpu.memory_space<vmem>> -> memref<128xi32, #tpu.memory_space<vmem>>
    %dma_start3A_39 = arith.constant 0 : i32
    %dma_start3A_40 = arith.constant 0 : i32
    %dma_start3A_41 = tpu.memref_slice %arg3[%dma_start3A_39, %dma_start3A_40] : memref<100000x128xf32, #tpu.memory_space<hbm>> -> memref<100000x128xf32, #tpu.memory_space<hbm>>
    tpu.enqueue_indirect_dma source(%dma_start3A_41 : memref<100000x128xf32, #tpu.memory_space<hbm>>) target(%dma_start3A_36 : memref<128x128xf32, #tpu.memory_space<vmem>>) offsets(%dma_start3A_38 : memref<128xi32, #tpu.memory_space<vmem>>) semaphore(%arg10 : memref<!tpu.dma_semaphore, #tpu.memory_space<semaphore_mem>>)
    %dma_start3A_42 = arith.constant 4 : i32
    %dma_start3A_43 = arith.constant 0 : i32
    %dma_start3A_44 = arith.constant 0 : i32
    %dma_start3A_45 = tpu.memref_slice %arg6[%dma_start3A_42, %dma_start3A_43, %dma_start3A_44] : memref<5x128x128xf32, #tpu.memory_space<vmem>> -> memref<1x128x128xf32, #tpu.memory_space<vmem>>
    %dma_start3A_46 = tpu.memref_squeeze %dma_start3A_45 : memref<1x128x128xf32, #tpu.memory_space<vmem>> -> memref<128x128xf32, #tpu.memory_space<vmem>>
    %dma_start3A_47 = arith.constant 512 : i32
    %dma_start3A_48 = tpu.memref_slice %arg5[%dma_start3A_47] : memref<6400xi32, #tpu.memory_space<vmem>> -> memref<128xi32, #tpu.memory_space<vmem>>
    %dma_start3A_49 = arith.constant 0 : i32
    %dma_start3A_50 = arith.constant 0 : i32
    %dma_start3A_51 = tpu.memref_slice %arg3[%dma_start3A_49, %dma_start3A_50] : memref<100000x128xf32, #tpu.memory_space<hbm>> -> memref<100000x128xf32, #tpu.memory_space<hbm>>
    tpu.enqueue_indirect_dma source(%dma_start3A_51 : memref<100000x128xf32, #tpu.memory_space<hbm>>) target(%dma_start3A_46 : memref<128x128xf32, #tpu.memory_space<vmem>>) offsets(%dma_start3A_48 : memref<128xi32, #tpu.memory_space<vmem>>) semaphore(%arg11 : memref<!tpu.dma_semaphore, #tpu.memory_space<semaphore_mem>>)
    %scan3A = arith.constant 0 : i32
    %scan3A_52 = arith.constant 0 : i32
    %scan3A_53 = arith.constant 10 : i32
    %scan3A_54 = arith.addi %scan3A_52, %scan3A_53 : i32
    %scan3A_55 = arith.constant 1 : i32
    scf.for %scan3A_131 = %scan3A_52 to %scan3A_54 step %scan3A_55  : i32 {
      %mul3A_132 = arith.constant 5 : i32
      %mul3A_133 = arith.muli %scan3A_131, %mul3A_132 : i32
      %add3A_134 = arith.constant 0 : i32
      %add3A_135 = arith.addi %mul3A_133, %add3A_134 : i32
      %dma_wait3A_136 = arith.constant 0 : i32
      %dma_wait3A_137 = arith.constant 0 : i32
      %dma_wait3A_138 = arith.constant 0 : i32
      %dma_wait3A_139 = tpu.memref_slice %arg6[%dma_wait3A_136, %dma_wait3A_137, %dma_wait3A_138] : memref<5x128x128xf32, #tpu.memory_space<vmem>> -> memref<1x128x128xf32, #tpu.memory_space<vmem>>
      %dma_wait3A_140 = tpu.memref_squeeze %dma_wait3A_139 : memref<1x128x128xf32, #tpu.memory_space<vmem>> -> memref<128x128xf32, #tpu.memory_space<vmem>>
      %dma_wait3A_141 = arith.constant 0 : i32
      %dma_wait3A_142 = tpu.memref_slice %arg5[%dma_wait3A_141] : memref<6400xi32, #tpu.memory_space<vmem>> -> memref<128xi32, #tpu.memory_space<vmem>>
      %dma_wait3A_143 = arith.constant 0 : i32
      %dma_wait3A_144 = arith.constant 0 : i32
      %dma_wait3A_145 = tpu.memref_slice %arg3[%dma_wait3A_143, %dma_wait3A_144] : memref<100000x128xf32, #tpu.memory_space<hbm>> -> memref<100000x128xf32, #tpu.memory_space<hbm>>
      tpu.wait_indirect_dma semaphore(%arg7 : memref<!tpu.dma_semaphore, #tpu.memory_space<semaphore_mem>>) src(%dma_wait3A_145 : memref<100000x128xf32, #tpu.memory_space<hbm>>) dst(%dma_wait3A_140 : memref<128x128xf32, #tpu.memory_space<vmem>>)
      %mul3A_146 = arith.constant 128 : i32
      %mul3A_147 = arith.muli %add3A_135, %mul3A_146 : i32
      %add3A_148 = arith.addi %mul3A_2, %mul3A_147 : i32
      %dma_start3A_149 = arith.constant 0 : i32
      %dma_start3A_150 = arith.constant 0 : i32
      %dma_start3A_151 = arith.constant 0 : i32
      %dma_start3A_152 = tpu.memref_slice %arg6[%dma_start3A_149, %dma_start3A_150, %dma_start3A_151] : memref<5x128x128xf32, #tpu.memory_space<vmem>> -> memref<1x128x128xf32, #tpu.memory_space<vmem>>
      %dma_start3A_153 = tpu.memref_squeeze %dma_start3A_152 : memref<1x128x128xf32, #tpu.memory_space<vmem>> -> memref<128x128xf32, #tpu.memory_space<vmem>>
      %dma_start3A_154 = arith.constant 0 : i32
      %dma_start3A_155 = tpu.memref_slice %arg4[%add3A_148, %dma_start3A_154] : memref<204800x128xf32, #tpu.memory_space<hbm>> -> memref<128x128xf32, #tpu.memory_space<hbm>>
      %dma_start3A_156 = arith.constant 0 : i32
      %dma_start3A_157 = tpu.memref_slice %arg4[%add3A_148, %dma_start3A_156] : memref<204800x128xf32, #tpu.memory_space<hbm>> -> memref<128x128xf32, #tpu.memory_space<hbm>>
      %dma_start3A_158 = arith.constant 0 : i32
      %dma_start3A_159 = arith.constant 0 : i32
      %dma_start3A_160 = tpu.memref_slice %arg6[%dma_start3A_149, %dma_start3A_158, %dma_start3A_159] : memref<5x128x128xf32, #tpu.memory_space<vmem>> -> memref<1x128x128xf32, #tpu.memory_space<vmem>>
      %dma_start3A_161 = tpu.memref_squeeze %dma_start3A_160 : memref<1x128x128xf32, #tpu.memory_space<vmem>> -> memref<128x128xf32, #tpu.memory_space<vmem>>
      tpu.enqueue_dma source(%dma_start3A_161 : memref<128x128xf32, #tpu.memory_space<vmem>>) target(%dma_start3A_157 : memref<128x128xf32, #tpu.memory_space<hbm>>) target_semaphore(%arg12 : memref<!tpu.dma_semaphore, #tpu.memory_space<semaphore_mem>>)
      %add3A_162 = arith.constant 5 : i32
      %add3A_163 = arith.addi %add3A_135, %add3A_162 : i32
      %lt3A = arith.constant 50 : i32
      %lt3A_164 = arith.cmpi slt, %add3A_163, %lt3A : i32
      %convert_element_type3A = arith.extui %lt3A_164 : i1 to i32
      %cond3A = arith.constant 0 : i32
      %cond3A_165 = arith.cmpi ne, %convert_element_type3A, %cond3A : i32
      scf.if %cond3A_165 {
        %dma_wait3A_314 = arith.constant 0 : i32
        %dma_wait3A_315 = arith.constant 0 : i32
        %dma_wait3A_316 = arith.constant 0 : i32
        %dma_wait3A_317 = tpu.memref_slice %arg6[%dma_wait3A_314, %dma_wait3A_315, %dma_wait3A_316] : memref<5x128x128xf32, #tpu.memory_space<vmem>> -> memref<1x128x128xf32, #tpu.memory_space<vmem>>
        %dma_wait3A_318 = tpu.memref_squeeze %dma_wait3A_317 : memref<1x128x128xf32, #tpu.memory_space<vmem>> -> memref<128x128xf32, #tpu.memory_space<vmem>>
        %dma_wait3A_319 = arith.constant 0 : i32
        %dma_wait3A_320 = arith.constant 0 : i32
        %dma_wait3A_321 = tpu.memref_slice %arg4[%dma_wait3A_319, %dma_wait3A_320] : memref<204800x128xf32, #tpu.memory_space<hbm>> -> memref<128x128xf32, #tpu.memory_space<hbm>>
        %dma_wait3A_322 = arith.constant 0 : i32
        %dma_wait3A_323 = arith.constant 0 : i32
        %dma_wait3A_324 = tpu.memref_slice %arg4[%dma_wait3A_322, %dma_wait3A_323] : memref<204800x128xf32, #tpu.memory_space<hbm>> -> memref<128x128xf32, #tpu.memory_space<hbm>>
        %dma_wait3A_325 = arith.constant 0 : i32
        %dma_wait3A_326 = arith.constant 0 : i32
        %dma_wait3A_327 = tpu.memref_slice %arg6[%dma_wait3A_314, %dma_wait3A_325, %dma_wait3A_326] : memref<5x128x128xf32, #tpu.memory_space<vmem>> -> memref<1x128x128xf32, #tpu.memory_space<vmem>>
        %dma_wait3A_328 = tpu.memref_squeeze %dma_wait3A_327 : memref<1x128x128xf32, #tpu.memory_space<vmem>> -> memref<128x128xf32, #tpu.memory_space<vmem>>
        tpu.wait_dma2 semaphore(%arg12 : memref<!tpu.dma_semaphore, #tpu.memory_space<semaphore_mem>>) src(%dma_wait3A_328 : memref<128x128xf32, #tpu.memory_space<vmem>>) dst(%dma_wait3A_324 : memref<128x128xf32, #tpu.memory_space<hbm>>)
        %add3A_329 = arith.constant 5 : i32
        %add3A_330 = arith.addi %add3A_135, %add3A_329 : i32
        %mul3A_331 = arith.constant 128 : i32
        %mul3A_332 = arith.muli %add3A_330, %mul3A_331 : i32
        %dma_start3A_333 = arith.constant 0 : i32
        %dma_start3A_334 = arith.constant 0 : i32
        %dma_start3A_335 = arith.constant 0 : i32
        %dma_start3A_336 = tpu.memref_slice %arg6[%dma_start3A_333, %dma_start3A_334, %dma_start3A_335] : memref<5x128x128xf32, #tpu.memory_space<vmem>> -> memref<1x128x128xf32, #tpu.memory_space<vmem>>
        %dma_start3A_337 = tpu.memref_squeeze %dma_start3A_336 : memref<1x128x128xf32, #tpu.memory_space<vmem>> -> memref<128x128xf32, #tpu.memory_space<vmem>>
        %dma_start3A_338 = tpu.memref_slice %arg5[%mul3A_332] : memref<6400xi32, #tpu.memory_space<vmem>> -> memref<128xi32, #tpu.memory_space<vmem>>
        %dma_start3A_339 = arith.constant 0 : i32
        %dma_start3A_340 = arith.constant 0 : i32
        %dma_start3A_341 = tpu.memref_slice %arg3[%dma_start3A_339, %dma_start3A_340] : memref<100000x128xf32, #tpu.memory_space<hbm>> -> memref<100000x128xf32, #tpu.memory_space<hbm>>
        tpu.enqueue_indirect_dma source(%dma_start3A_341 : memref<100000x128xf32, #tpu.memory_space<hbm>>) target(%dma_start3A_337 : memref<128x128xf32, #tpu.memory_space<vmem>>) offsets(%dma_start3A_338 : memref<128xi32, #tpu.memory_space<vmem>>) semaphore(%arg7 : memref<!tpu.dma_semaphore, #tpu.memory_space<semaphore_mem>>)
      } else {
      }
      %mul3A_166 = arith.constant 5 : i32
      %mul3A_167 = arith.muli %scan3A_131, %mul3A_166 : i32
      %add3A_168 = arith.constant 1 : i32
      %add3A_169 = arith.addi %mul3A_167, %add3A_168 : i32
      %dma_wait3A_170 = arith.constant 1 : i32
      %dma_wait3A_171 = arith.constant 0 : i32
      %dma_wait3A_172 = arith.constant 0 : i32
      %dma_wait3A_173 = tpu.memref_slice %arg6[%dma_wait3A_170, %dma_wait3A_171, %dma_wait3A_172] : memref<5x128x128xf32, #tpu.memory_space<vmem>> -> memref<1x128x128xf32, #tpu.memory_space<vmem>>
      %dma_wait3A_174 = tpu.memref_squeeze %dma_wait3A_173 : memref<1x128x128xf32, #tpu.memory_space<vmem>> -> memref<128x128xf32, #tpu.memory_space<vmem>>
      %dma_wait3A_175 = arith.constant 0 : i32
      %dma_wait3A_176 = tpu.memref_slice %arg5[%dma_wait3A_175] : memref<6400xi32, #tpu.memory_space<vmem>> -> memref<128xi32, #tpu.memory_space<vmem>>
      %dma_wait3A_177 = arith.constant 0 : i32
      %dma_wait3A_178 = arith.constant 0 : i32
      %dma_wait3A_179 = tpu.memref_slice %arg3[%dma_wait3A_177, %dma_wait3A_178] : memref<100000x128xf32, #tpu.memory_space<hbm>> -> memref<100000x128xf32, #tpu.memory_space<hbm>>
      tpu.wait_indirect_dma semaphore(%arg8 : memref<!tpu.dma_semaphore, #tpu.memory_space<semaphore_mem>>) src(%dma_wait3A_179 : memref<100000x128xf32, #tpu.memory_space<hbm>>) dst(%dma_wait3A_174 : memref<128x128xf32, #tpu.memory_space<vmem>>)
      %mul3A_180 = arith.constant 128 : i32
      %mul3A_181 = arith.muli %add3A_169, %mul3A_180 : i32
      %add3A_182 = arith.addi %mul3A_2, %mul3A_181 : i32
      %dma_start3A_183 = arith.constant 1 : i32
      %dma_start3A_184 = arith.constant 0 : i32
      %dma_start3A_185 = arith.constant 0 : i32
      %dma_start3A_186 = tpu.memref_slice %arg6[%dma_start3A_183, %dma_start3A_184, %dma_start3A_185] : memref<5x128x128xf32, #tpu.memory_space<vmem>> -> memref<1x128x128xf32, #tpu.memory_space<vmem>>
      %dma_start3A_187 = tpu.memref_squeeze %dma_start3A_186 : memref<1x128x128xf32, #tpu.memory_space<vmem>> -> memref<128x128xf32, #tpu.memory_space<vmem>>
      %dma_start3A_188 = arith.constant 0 : i32
      %dma_start3A_189 = tpu.memref_slice %arg4[%add3A_182, %dma_start3A_188] : memref<204800x128xf32, #tpu.memory_space<hbm>> -> memref<128x128xf32, #tpu.memory_space<hbm>>
      %dma_start3A_190 = arith.constant 0 : i32
      %dma_start3A_191 = tpu.memref_slice %arg4[%add3A_182, %dma_start3A_190] : memref<204800x128xf32, #tpu.memory_space<hbm>> -> memref<128x128xf32, #tpu.memory_space<hbm>>
      %dma_start3A_192 = arith.constant 0 : i32
      %dma_start3A_193 = arith.constant 0 : i32
      %dma_start3A_194 = tpu.memref_slice %arg6[%dma_start3A_183, %dma_start3A_192, %dma_start3A_193] : memref<5x128x128xf32, #tpu.memory_space<vmem>> -> memref<1x128x128xf32, #tpu.memory_space<vmem>>
      %dma_start3A_195 = tpu.memref_squeeze %dma_start3A_194 : memref<1x128x128xf32, #tpu.memory_space<vmem>> -> memref<128x128xf32, #tpu.memory_space<vmem>>
      tpu.enqueue_dma source(%dma_start3A_195 : memref<128x128xf32, #tpu.memory_space<vmem>>) target(%dma_start3A_191 : memref<128x128xf32, #tpu.memory_space<hbm>>) target_semaphore(%arg13 : memref<!tpu.dma_semaphore, #tpu.memory_space<semaphore_mem>>)
      %add3A_196 = arith.constant 5 : i32
      %add3A_197 = arith.addi %add3A_169, %add3A_196 : i32
      %lt3A_198 = arith.constant 50 : i32
      %lt3A_199 = arith.cmpi slt, %add3A_197, %lt3A_198 : i32
      %convert_element_type3A_200 = arith.extui %lt3A_199 : i1 to i32
      %cond3A_201 = arith.constant 0 : i32
      %cond3A_202 = arith.cmpi ne, %convert_element_type3A_200, %cond3A_201 : i32
      scf.if %cond3A_202 {
        %dma_wait3A_314 = arith.constant 1 : i32
        %dma_wait3A_315 = arith.constant 0 : i32
        %dma_wait3A_316 = arith.constant 0 : i32
        %dma_wait3A_317 = tpu.memref_slice %arg6[%dma_wait3A_314, %dma_wait3A_315, %dma_wait3A_316] : memref<5x128x128xf32, #tpu.memory_space<vmem>> -> memref<1x128x128xf32, #tpu.memory_space<vmem>>
        %dma_wait3A_318 = tpu.memref_squeeze %dma_wait3A_317 : memref<1x128x128xf32, #tpu.memory_space<vmem>> -> memref<128x128xf32, #tpu.memory_space<vmem>>
        %dma_wait3A_319 = arith.constant 0 : i32
        %dma_wait3A_320 = arith.constant 0 : i32
        %dma_wait3A_321 = tpu.memref_slice %arg4[%dma_wait3A_319, %dma_wait3A_320] : memref<204800x128xf32, #tpu.memory_space<hbm>> -> memref<128x128xf32, #tpu.memory_space<hbm>>
        %dma_wait3A_322 = arith.constant 0 : i32
        %dma_wait3A_323 = arith.constant 0 : i32
        %dma_wait3A_324 = tpu.memref_slice %arg4[%dma_wait3A_322, %dma_wait3A_323] : memref<204800x128xf32, #tpu.memory_space<hbm>> -> memref<128x128xf32, #tpu.memory_space<hbm>>
        %dma_wait3A_325 = arith.constant 0 : i32
        %dma_wait3A_326 = arith.constant 0 : i32
        %dma_wait3A_327 = tpu.memref_slice %arg6[%dma_wait3A_314, %dma_wait3A_325, %dma_wait3A_326] : memref<5x128x128xf32, #tpu.memory_space<vmem>> -> memref<1x128x128xf32, #tpu.memory_space<vmem>>
        %dma_wait3A_328 = tpu.memref_squeeze %dma_wait3A_327 : memref<1x128x128xf32, #tpu.memory_space<vmem>> -> memref<128x128xf32, #tpu.memory_space<vmem>>
        tpu.wait_dma2 semaphore(%arg13 : memref<!tpu.dma_semaphore, #tpu.memory_space<semaphore_mem>>) src(%dma_wait3A_328 : memref<128x128xf32, #tpu.memory_space<vmem>>) dst(%dma_wait3A_324 : memref<128x128xf32, #tpu.memory_space<hbm>>)
        %add3A_329 = arith.constant 5 : i32
        %add3A_330 = arith.addi %add3A_169, %add3A_329 : i32
        %mul3A_331 = arith.constant 128 : i32
        %mul3A_332 = arith.muli %add3A_330, %mul3A_331 : i32
        %dma_start3A_333 = arith.constant 1 : i32
        %dma_start3A_334 = arith.constant 0 : i32
        %dma_start3A_335 = arith.constant 0 : i32
        %dma_start3A_336 = tpu.memref_slice %arg6[%dma_start3A_333, %dma_start3A_334, %dma_start3A_335] : memref<5x128x128xf32, #tpu.memory_space<vmem>> -> memref<1x128x128xf32, #tpu.memory_space<vmem>>
        %dma_start3A_337 = tpu.memref_squeeze %dma_start3A_336 : memref<1x128x128xf32, #tpu.memory_space<vmem>> -> memref<128x128xf32, #tpu.memory_space<vmem>>
        %dma_start3A_338 = tpu.memref_slice %arg5[%mul3A_332] : memref<6400xi32, #tpu.memory_space<vmem>> -> memref<128xi32, #tpu.memory_space<vmem>>
        %dma_start3A_339 = arith.constant 0 : i32
        %dma_start3A_340 = arith.constant 0 : i32
        %dma_start3A_341 = tpu.memref_slice %arg3[%dma_start3A_339, %dma_start3A_340] : memref<100000x128xf32, #tpu.memory_space<hbm>> -> memref<100000x128xf32, #tpu.memory_space<hbm>>
        tpu.enqueue_indirect_dma source(%dma_start3A_341 : memref<100000x128xf32, #tpu.memory_space<hbm>>) target(%dma_start3A_337 : memref<128x128xf32, #tpu.memory_space<vmem>>) offsets(%dma_start3A_338 : memref<128xi32, #tpu.memory_space<vmem>>) semaphore(%arg8 : memref<!tpu.dma_semaphore, #tpu.memory_space<semaphore_mem>>)
      } else {
      }
      %mul3A_203 = arith.constant 5 : i32
      %mul3A_204 = arith.muli %scan3A_131, %mul3A_203 : i32
      %add3A_205 = arith.constant 2 : i32
      %add3A_206 = arith.addi %mul3A_204, %add3A_205 : i32
      %dma_wait3A_207 = arith.constant 2 : i32
      %dma_wait3A_208 = arith.constant 0 : i32
      %dma_wait3A_209 = arith.constant 0 : i32
      %dma_wait3A_210 = tpu.memref_slice %arg6[%dma_wait3A_207, %dma_wait3A_208, %dma_wait3A_209] : memref<5x128x128xf32, #tpu.memory_space<vmem>> -> memref<1x128x128xf32, #tpu.memory_space<vmem>>
      %dma_wait3A_211 = tpu.memref_squeeze %dma_wait3A_210 : memref<1x128x128xf32, #tpu.memory_space<vmem>> -> memref<128x128xf32, #tpu.memory_space<vmem>>
      %dma_wait3A_212 = arith.constant 0 : i32
      %dma_wait3A_213 = tpu.memref_slice %arg5[%dma_wait3A_212] : memref<6400xi32, #tpu.memory_space<vmem>> -> memref<128xi32, #tpu.memory_space<vmem>>
      %dma_wait3A_214 = arith.constant 0 : i32
      %dma_wait3A_215 = arith.constant 0 : i32
      %dma_wait3A_216 = tpu.memref_slice %arg3[%dma_wait3A_214, %dma_wait3A_215] : memref<100000x128xf32, #tpu.memory_space<hbm>> -> memref<100000x128xf32, #tpu.memory_space<hbm>>
      tpu.wait_indirect_dma semaphore(%arg9 : memref<!tpu.dma_semaphore, #tpu.memory_space<semaphore_mem>>) src(%dma_wait3A_216 : memref<100000x128xf32, #tpu.memory_space<hbm>>) dst(%dma_wait3A_211 : memref<128x128xf32, #tpu.memory_space<vmem>>)
      %mul3A_217 = arith.constant 128 : i32
      %mul3A_218 = arith.muli %add3A_206, %mul3A_217 : i32
      %add3A_219 = arith.addi %mul3A_2, %mul3A_218 : i32
      %dma_start3A_220 = arith.constant 2 : i32
      %dma_start3A_221 = arith.constant 0 : i32
      %dma_start3A_222 = arith.constant 0 : i32
      %dma_start3A_223 = tpu.memref_slice %arg6[%dma_start3A_220, %dma_start3A_221, %dma_start3A_222] : memref<5x128x128xf32, #tpu.memory_space<vmem>> -> memref<1x128x128xf32, #tpu.memory_space<vmem>>
      %dma_start3A_224 = tpu.memref_squeeze %dma_start3A_223 : memref<1x128x128xf32, #tpu.memory_space<vmem>> -> memref<128x128xf32, #tpu.memory_space<vmem>>
      %dma_start3A_225 = arith.constant 0 : i32
      %dma_start3A_226 = tpu.memref_slice %arg4[%add3A_219, %dma_start3A_225] : memref<204800x128xf32, #tpu.memory_space<hbm>> -> memref<128x128xf32, #tpu.memory_space<hbm>>
      %dma_start3A_227 = arith.constant 0 : i32
      %dma_start3A_228 = tpu.memref_slice %arg4[%add3A_219, %dma_start3A_227] : memref<204800x128xf32, #tpu.memory_space<hbm>> -> memref<128x128xf32, #tpu.memory_space<hbm>>
      %dma_start3A_229 = arith.constant 0 : i32
      %dma_start3A_230 = arith.constant 0 : i32
      %dma_start3A_231 = tpu.memref_slice %arg6[%dma_start3A_220, %dma_start3A_229, %dma_start3A_230] : memref<5x128x128xf32, #tpu.memory_space<vmem>> -> memref<1x128x128xf32, #tpu.memory_space<vmem>>
      %dma_start3A_232 = tpu.memref_squeeze %dma_start3A_231 : memref<1x128x128xf32, #tpu.memory_space<vmem>> -> memref<128x128xf32, #tpu.memory_space<vmem>>
      tpu.enqueue_dma source(%dma_start3A_232 : memref<128x128xf32, #tpu.memory_space<vmem>>) target(%dma_start3A_228 : memref<128x128xf32, #tpu.memory_space<hbm>>) target_semaphore(%arg14 : memref<!tpu.dma_semaphore, #tpu.memory_space<semaphore_mem>>)
      %add3A_233 = arith.constant 5 : i32
      %add3A_234 = arith.addi %add3A_206, %add3A_233 : i32
      %lt3A_235 = arith.constant 50 : i32
      %lt3A_236 = arith.cmpi slt, %add3A_234, %lt3A_235 : i32
      %convert_element_type3A_237 = arith.extui %lt3A_236 : i1 to i32
      %cond3A_238 = arith.constant 0 : i32
      %cond3A_239 = arith.cmpi ne, %convert_element_type3A_237, %cond3A_238 : i32
      scf.if %cond3A_239 {
        %dma_wait3A_314 = arith.constant 2 : i32
        %dma_wait3A_315 = arith.constant 0 : i32
        %dma_wait3A_316 = arith.constant 0 : i32
        %dma_wait3A_317 = tpu.memref_slice %arg6[%dma_wait3A_314, %dma_wait3A_315, %dma_wait3A_316] : memref<5x128x128xf32, #tpu.memory_space<vmem>> -> memref<1x128x128xf32, #tpu.memory_space<vmem>>
        %dma_wait3A_318 = tpu.memref_squeeze %dma_wait3A_317 : memref<1x128x128xf32, #tpu.memory_space<vmem>> -> memref<128x128xf32, #tpu.memory_space<vmem>>
        %dma_wait3A_319 = arith.constant 0 : i32
        %dma_wait3A_320 = arith.constant 0 : i32
        %dma_wait3A_321 = tpu.memref_slice %arg4[%dma_wait3A_319, %dma_wait3A_320] : memref<204800x128xf32, #tpu.memory_space<hbm>> -> memref<128x128xf32, #tpu.memory_space<hbm>>
        %dma_wait3A_322 = arith.constant 0 : i32
        %dma_wait3A_323 = arith.constant 0 : i32
        %dma_wait3A_324 = tpu.memref_slice %arg4[%dma_wait3A_322, %dma_wait3A_323] : memref<204800x128xf32, #tpu.memory_space<hbm>> -> memref<128x128xf32, #tpu.memory_space<hbm>>
        %dma_wait3A_325 = arith.constant 0 : i32
        %dma_wait3A_326 = arith.constant 0 : i32
        %dma_wait3A_327 = tpu.memref_slice %arg6[%dma_wait3A_314, %dma_wait3A_325, %dma_wait3A_326] : memref<5x128x128xf32, #tpu.memory_space<vmem>> -> memref<1x128x128xf32, #tpu.memory_space<vmem>>
        %dma_wait3A_328 = tpu.memref_squeeze %dma_wait3A_327 : memref<1x128x128xf32, #tpu.memory_space<vmem>> -> memref<128x128xf32, #tpu.memory_space<vmem>>
        tpu.wait_dma2 semaphore(%arg14 : memref<!tpu.dma_semaphore, #tpu.memory_space<semaphore_mem>>) src(%dma_wait3A_328 : memref<128x128xf32, #tpu.memory_space<vmem>>) dst(%dma_wait3A_324 : memref<128x128xf32, #tpu.memory_space<hbm>>)
        %add3A_329 = arith.constant 5 : i32
        %add3A_330 = arith.addi %add3A_206, %add3A_329 : i32
        %mul3A_331 = arith.constant 128 : i32
        %mul3A_332 = arith.muli %add3A_330, %mul3A_331 : i32
        %dma_start3A_333 = arith.constant 2 : i32
        %dma_start3A_334 = arith.constant 0 : i32
        %dma_start3A_335 = arith.constant 0 : i32
        %dma_start3A_336 = tpu.memref_slice %arg6[%dma_start3A_333, %dma_start3A_334, %dma_start3A_335] : memref<5x128x128xf32, #tpu.memory_space<vmem>> -> memref<1x128x128xf32, #tpu.memory_space<vmem>>
        %dma_start3A_337 = tpu.memref_squeeze %dma_start3A_336 : memref<1x128x128xf32, #tpu.memory_space<vmem>> -> memref<128x128xf32, #tpu.memory_space<vmem>>
        %dma_start3A_338 = tpu.memref_slice %arg5[%mul3A_332] : memref<6400xi32, #tpu.memory_space<vmem>> -> memref<128xi32, #tpu.memory_space<vmem>>
        %dma_start3A_339 = arith.constant 0 : i32
        %dma_start3A_340 = arith.constant 0 : i32
        %dma_start3A_341 = tpu.memref_slice %arg3[%dma_start3A_339, %dma_start3A_340] : memref<100000x128xf32, #tpu.memory_space<hbm>> -> memref<100000x128xf32, #tpu.memory_space<hbm>>
        tpu.enqueue_indirect_dma source(%dma_start3A_341 : memref<100000x128xf32, #tpu.memory_space<hbm>>) target(%dma_start3A_337 : memref<128x128xf32, #tpu.memory_space<vmem>>) offsets(%dma_start3A_338 : memref<128xi32, #tpu.memory_space<vmem>>) semaphore(%arg9 : memref<!tpu.dma_semaphore, #tpu.memory_space<semaphore_mem>>)
      } else {
      }
      %mul3A_240 = arith.constant 5 : i32
      %mul3A_241 = arith.muli %scan3A_131, %mul3A_240 : i32
      %add3A_242 = arith.constant 3 : i32
      %add3A_243 = arith.addi %mul3A_241, %add3A_242 : i32
      %dma_wait3A_244 = arith.constant 3 : i32
      %dma_wait3A_245 = arith.constant 0 : i32
      %dma_wait3A_246 = arith.constant 0 : i32
      %dma_wait3A_247 = tpu.memref_slice %arg6[%dma_wait3A_244, %dma_wait3A_245, %dma_wait3A_246] : memref<5x128x128xf32, #tpu.memory_space<vmem>> -> memref<1x128x128xf32, #tpu.memory_space<vmem>>
      %dma_wait3A_248 = tpu.memref_squeeze %dma_wait3A_247 : memref<1x128x128xf32, #tpu.memory_space<vmem>> -> memref<128x128xf32, #tpu.memory_space<vmem>>
      %dma_wait3A_249 = arith.constant 0 : i32
      %dma_wait3A_250 = tpu.memref_slice %arg5[%dma_wait3A_249] : memref<6400xi32, #tpu.memory_space<vmem>> -> memref<128xi32, #tpu.memory_space<vmem>>
      %dma_wait3A_251 = arith.constant 0 : i32
      %dma_wait3A_252 = arith.constant 0 : i32
      %dma_wait3A_253 = tpu.memref_slice %arg3[%dma_wait3A_251, %dma_wait3A_252] : memref<100000x128xf32, #tpu.memory_space<hbm>> -> memref<100000x128xf32, #tpu.memory_space<hbm>>
      tpu.wait_indirect_dma semaphore(%arg10 : memref<!tpu.dma_semaphore, #tpu.memory_space<semaphore_mem>>) src(%dma_wait3A_253 : memref<100000x128xf32, #tpu.memory_space<hbm>>) dst(%dma_wait3A_248 : memref<128x128xf32, #tpu.memory_space<vmem>>)
      %mul3A_254 = arith.constant 128 : i32
      %mul3A_255 = arith.muli %add3A_243, %mul3A_254 : i32
      %add3A_256 = arith.addi %mul3A_2, %mul3A_255 : i32
      %dma_start3A_257 = arith.constant 3 : i32
      %dma_start3A_258 = arith.constant 0 : i32
      %dma_start3A_259 = arith.constant 0 : i32
      %dma_start3A_260 = tpu.memref_slice %arg6[%dma_start3A_257, %dma_start3A_258, %dma_start3A_259] : memref<5x128x128xf32, #tpu.memory_space<vmem>> -> memref<1x128x128xf32, #tpu.memory_space<vmem>>
      %dma_start3A_261 = tpu.memref_squeeze %dma_start3A_260 : memref<1x128x128xf32, #tpu.memory_space<vmem>> -> memref<128x128xf32, #tpu.memory_space<vmem>>
      %dma_start3A_262 = arith.constant 0 : i32
      %dma_start3A_263 = tpu.memref_slice %arg4[%add3A_256, %dma_start3A_262] : memref<204800x128xf32, #tpu.memory_space<hbm>> -> memref<128x128xf32, #tpu.memory_space<hbm>>
      %dma_start3A_264 = arith.constant 0 : i32
      %dma_start3A_265 = tpu.memref_slice %arg4[%add3A_256, %dma_start3A_264] : memref<204800x128xf32, #tpu.memory_space<hbm>> -> memref<128x128xf32, #tpu.memory_space<hbm>>
      %dma_start3A_266 = arith.constant 0 : i32
      %dma_start3A_267 = arith.constant 0 : i32
      %dma_start3A_268 = tpu.memref_slice %arg6[%dma_start3A_257, %dma_start3A_266, %dma_start3A_267] : memref<5x128x128xf32, #tpu.memory_space<vmem>> -> memref<1x128x128xf32, #tpu.memory_space<vmem>>
      %dma_start3A_269 = tpu.memref_squeeze %dma_start3A_268 : memref<1x128x128xf32, #tpu.memory_space<vmem>> -> memref<128x128xf32, #tpu.memory_space<vmem>>
      tpu.enqueue_dma source(%dma_start3A_269 : memref<128x128xf32, #tpu.memory_space<vmem>>) target(%dma_start3A_265 : memref<128x128xf32, #tpu.memory_space<hbm>>) target_semaphore(%arg15 : memref<!tpu.dma_semaphore, #tpu.memory_space<semaphore_mem>>)
      %add3A_270 = arith.constant 5 : i32
      %add3A_271 = arith.addi %add3A_243, %add3A_270 : i32
      %lt3A_272 = arith.constant 50 : i32
      %lt3A_273 = arith.cmpi slt, %add3A_271, %lt3A_272 : i32
      %convert_element_type3A_274 = arith.extui %lt3A_273 : i1 to i32
      %cond3A_275 = arith.constant 0 : i32
      %cond3A_276 = arith.cmpi ne, %convert_element_type3A_274, %cond3A_275 : i32
      scf.if %cond3A_276 {
        %dma_wait3A_314 = arith.constant 3 : i32
        %dma_wait3A_315 = arith.constant 0 : i32
        %dma_wait3A_316 = arith.constant 0 : i32
        %dma_wait3A_317 = tpu.memref_slice %arg6[%dma_wait3A_314, %dma_wait3A_315, %dma_wait3A_316] : memref<5x128x128xf32, #tpu.memory_space<vmem>> -> memref<1x128x128xf32, #tpu.memory_space<vmem>>
        %dma_wait3A_318 = tpu.memref_squeeze %dma_wait3A_317 : memref<1x128x128xf32, #tpu.memory_space<vmem>> -> memref<128x128xf32, #tpu.memory_space<vmem>>
        %dma_wait3A_319 = arith.constant 0 : i32
        %dma_wait3A_320 = arith.constant 0 : i32
        %dma_wait3A_321 = tpu.memref_slice %arg4[%dma_wait3A_319, %dma_wait3A_320] : memref<204800x128xf32, #tpu.memory_space<hbm>> -> memref<128x128xf32, #tpu.memory_space<hbm>>
        %dma_wait3A_322 = arith.constant 0 : i32
        %dma_wait3A_323 = arith.constant 0 : i32
        %dma_wait3A_324 = tpu.memref_slice %arg4[%dma_wait3A_322, %dma_wait3A_323] : memref<204800x128xf32, #tpu.memory_space<hbm>> -> memref<128x128xf32, #tpu.memory_space<hbm>>
        %dma_wait3A_325 = arith.constant 0 : i32
        %dma_wait3A_326 = arith.constant 0 : i32
        %dma_wait3A_327 = tpu.memref_slice %arg6[%dma_wait3A_314, %dma_wait3A_325, %dma_wait3A_326] : memref<5x128x128xf32, #tpu.memory_space<vmem>> -> memref<1x128x128xf32, #tpu.memory_space<vmem>>
        %dma_wait3A_328 = tpu.memref_squeeze %dma_wait3A_327 : memref<1x128x128xf32, #tpu.memory_space<vmem>> -> memref<128x128xf32, #tpu.memory_space<vmem>>
        tpu.wait_dma2 semaphore(%arg15 : memref<!tpu.dma_semaphore, #tpu.memory_space<semaphore_mem>>) src(%dma_wait3A_328 : memref<128x128xf32, #tpu.memory_space<vmem>>) dst(%dma_wait3A_324 : memref<128x128xf32, #tpu.memory_space<hbm>>)
        %add3A_329 = arith.constant 5 : i32
        %add3A_330 = arith.addi %add3A_243, %add3A_329 : i32
        %mul3A_331 = arith.constant 128 : i32
        %mul3A_332 = arith.muli %add3A_330, %mul3A_331 : i32
        %dma_start3A_333 = arith.constant 3 : i32
        %dma_start3A_334 = arith.constant 0 : i32
        %dma_start3A_335 = arith.constant 0 : i32
        %dma_start3A_336 = tpu.memref_slice %arg6[%dma_start3A_333, %dma_start3A_334, %dma_start3A_335] : memref<5x128x128xf32, #tpu.memory_space<vmem>> -> memref<1x128x128xf32, #tpu.memory_space<vmem>>
        %dma_start3A_337 = tpu.memref_squeeze %dma_start3A_336 : memref<1x128x128xf32, #tpu.memory_space<vmem>> -> memref<128x128xf32, #tpu.memory_space<vmem>>
        %dma_start3A_338 = tpu.memref_slice %arg5[%mul3A_332] : memref<6400xi32, #tpu.memory_space<vmem>> -> memref<128xi32, #tpu.memory_space<vmem>>
        %dma_start3A_339 = arith.constant 0 : i32
        %dma_start3A_340 = arith.constant 0 : i32
        %dma_start3A_341 = tpu.memref_slice %arg3[%dma_start3A_339, %dma_start3A_340] : memref<100000x128xf32, #tpu.memory_space<hbm>> -> memref<100000x128xf32, #tpu.memory_space<hbm>>
        tpu.enqueue_indirect_dma source(%dma_start3A_341 : memref<100000x128xf32, #tpu.memory_space<hbm>>) target(%dma_start3A_337 : memref<128x128xf32, #tpu.memory_space<vmem>>) offsets(%dma_start3A_338 : memref<128xi32, #tpu.memory_space<vmem>>) semaphore(%arg10 : memref<!tpu.dma_semaphore, #tpu.memory_space<semaphore_mem>>)
      } else {
      }
      %mul3A_277 = arith.constant 5 : i32
      %mul3A_278 = arith.muli %scan3A_131, %mul3A_277 : i32
      %add3A_279 = arith.constant 4 : i32
      %add3A_280 = arith.addi %mul3A_278, %add3A_279 : i32
      %dma_wait3A_281 = arith.constant 4 : i32
      %dma_wait3A_282 = arith.constant 0 : i32
      %dma_wait3A_283 = arith.constant 0 : i32
      %dma_wait3A_284 = tpu.memref_slice %arg6[%dma_wait3A_281, %dma_wait3A_282, %dma_wait3A_283] : memref<5x128x128xf32, #tpu.memory_space<vmem>> -> memref<1x128x128xf32, #tpu.memory_space<vmem>>
      %dma_wait3A_285 = tpu.memref_squeeze %dma_wait3A_284 : memref<1x128x128xf32, #tpu.memory_space<vmem>> -> memref<128x128xf32, #tpu.memory_space<vmem>>
      %dma_wait3A_286 = arith.constant 0 : i32
      %dma_wait3A_287 = tpu.memref_slice %arg5[%dma_wait3A_286] : memref<6400xi32, #tpu.memory_space<vmem>> -> memref<128xi32, #tpu.memory_space<vmem>>
      %dma_wait3A_288 = arith.constant 0 : i32
      %dma_wait3A_289 = arith.constant 0 : i32
      %dma_wait3A_290 = tpu.memref_slice %arg3[%dma_wait3A_288, %dma_wait3A_289] : memref<100000x128xf32, #tpu.memory_space<hbm>> -> memref<100000x128xf32, #tpu.memory_space<hbm>>
      tpu.wait_indirect_dma semaphore(%arg11 : memref<!tpu.dma_semaphore, #tpu.memory_space<semaphore_mem>>) src(%dma_wait3A_290 : memref<100000x128xf32, #tpu.memory_space<hbm>>) dst(%dma_wait3A_285 : memref<128x128xf32, #tpu.memory_space<vmem>>)
      %mul3A_291 = arith.constant 128 : i32
      %mul3A_292 = arith.muli %add3A_280, %mul3A_291 : i32
      %add3A_293 = arith.addi %mul3A_2, %mul3A_292 : i32
      %dma_start3A_294 = arith.constant 4 : i32
      %dma_start3A_295 = arith.constant 0 : i32
      %dma_start3A_296 = arith.constant 0 : i32
      %dma_start3A_297 = tpu.memref_slice %arg6[%dma_start3A_294, %dma_start3A_295, %dma_start3A_296] : memref<5x128x128xf32, #tpu.memory_space<vmem>> -> memref<1x128x128xf32, #tpu.memory_space<vmem>>
      %dma_start3A_298 = tpu.memref_squeeze %dma_start3A_297 : memref<1x128x128xf32, #tpu.memory_space<vmem>> -> memref<128x128xf32, #tpu.memory_space<vmem>>
      %dma_start3A_299 = arith.constant 0 : i32
      %dma_start3A_300 = tpu.memref_slice %arg4[%add3A_293, %dma_start3A_299] : memref<204800x128xf32, #tpu.memory_space<hbm>> -> memref<128x128xf32, #tpu.memory_space<hbm>>
      %dma_start3A_301 = arith.constant 0 : i32
      %dma_start3A_302 = tpu.memref_slice %arg4[%add3A_293, %dma_start3A_301] : memref<204800x128xf32, #tpu.memory_space<hbm>> -> memref<128x128xf32, #tpu.memory_space<hbm>>
      %dma_start3A_303 = arith.constant 0 : i32
      %dma_start3A_304 = arith.constant 0 : i32
      %dma_start3A_305 = tpu.memref_slice %arg6[%dma_start3A_294, %dma_start3A_303, %dma_start3A_304] : memref<5x128x128xf32, #tpu.memory_space<vmem>> -> memref<1x128x128xf32, #tpu.memory_space<vmem>>
      %dma_start3A_306 = tpu.memref_squeeze %dma_start3A_305 : memref<1x128x128xf32, #tpu.memory_space<vmem>> -> memref<128x128xf32, #tpu.memory_space<vmem>>
      tpu.enqueue_dma source(%dma_start3A_306 : memref<128x128xf32, #tpu.memory_space<vmem>>) target(%dma_start3A_302 : memref<128x128xf32, #tpu.memory_space<hbm>>) target_semaphore(%arg16 : memref<!tpu.dma_semaphore, #tpu.memory_space<semaphore_mem>>)
      %add3A_307 = arith.constant 5 : i32
      %add3A_308 = arith.addi %add3A_280, %add3A_307 : i32
      %lt3A_309 = arith.constant 50 : i32
      %lt3A_310 = arith.cmpi slt, %add3A_308, %lt3A_309 : i32
      %convert_element_type3A_311 = arith.extui %lt3A_310 : i1 to i32
      %cond3A_312 = arith.constant 0 : i32
      %cond3A_313 = arith.cmpi ne, %convert_element_type3A_311, %cond3A_312 : i32
      scf.if %cond3A_313 {
        %dma_wait3A_314 = arith.constant 4 : i32
        %dma_wait3A_315 = arith.constant 0 : i32
        %dma_wait3A_316 = arith.constant 0 : i32
        %dma_wait3A_317 = tpu.memref_slice %arg6[%dma_wait3A_314, %dma_wait3A_315, %dma_wait3A_316] : memref<5x128x128xf32, #tpu.memory_space<vmem>> -> memref<1x128x128xf32, #tpu.memory_space<vmem>>
        %dma_wait3A_318 = tpu.memref_squeeze %dma_wait3A_317 : memref<1x128x128xf32, #tpu.memory_space<vmem>> -> memref<128x128xf32, #tpu.memory_space<vmem>>
        %dma_wait3A_319 = arith.constant 0 : i32
        %dma_wait3A_320 = arith.constant 0 : i32
        %dma_wait3A_321 = tpu.memref_slice %arg4[%dma_wait3A_319, %dma_wait3A_320] : memref<204800x128xf32, #tpu.memory_space<hbm>> -> memref<128x128xf32, #tpu.memory_space<hbm>>
        %dma_wait3A_322 = arith.constant 0 : i32
        %dma_wait3A_323 = arith.constant 0 : i32
        %dma_wait3A_324 = tpu.memref_slice %arg4[%dma_wait3A_322, %dma_wait3A_323] : memref<204800x128xf32, #tpu.memory_space<hbm>> -> memref<128x128xf32, #tpu.memory_space<hbm>>
        %dma_wait3A_325 = arith.constant 0 : i32
        %dma_wait3A_326 = arith.constant 0 : i32
        %dma_wait3A_327 = tpu.memref_slice %arg6[%dma_wait3A_314, %dma_wait3A_325, %dma_wait3A_326] : memref<5x128x128xf32, #tpu.memory_space<vmem>> -> memref<1x128x128xf32, #tpu.memory_space<vmem>>
        %dma_wait3A_328 = tpu.memref_squeeze %dma_wait3A_327 : memref<1x128x128xf32, #tpu.memory_space<vmem>> -> memref<128x128xf32, #tpu.memory_space<vmem>>
        tpu.wait_dma2 semaphore(%arg16 : memref<!tpu.dma_semaphore, #tpu.memory_space<semaphore_mem>>) src(%dma_wait3A_328 : memref<128x128xf32, #tpu.memory_space<vmem>>) dst(%dma_wait3A_324 : memref<128x128xf32, #tpu.memory_space<hbm>>)
        %add3A_329 = arith.constant 5 : i32
        %add3A_330 = arith.addi %add3A_280, %add3A_329 : i32
        %mul3A_331 = arith.constant 128 : i32
        %mul3A_332 = arith.muli %add3A_330, %mul3A_331 : i32
        %dma_start3A_333 = arith.constant 4 : i32
        %dma_start3A_334 = arith.constant 0 : i32
        %dma_start3A_335 = arith.constant 0 : i32
        %dma_start3A_336 = tpu.memref_slice %arg6[%dma_start3A_333, %dma_start3A_334, %dma_start3A_335] : memref<5x128x128xf32, #tpu.memory_space<vmem>> -> memref<1x128x128xf32, #tpu.memory_space<vmem>>
        %dma_start3A_337 = tpu.memref_squeeze %dma_start3A_336 : memref<1x128x128xf32, #tpu.memory_space<vmem>> -> memref<128x128xf32, #tpu.memory_space<vmem>>
        %dma_start3A_338 = tpu.memref_slice %arg5[%mul3A_332] : memref<6400xi32, #tpu.memory_space<vmem>> -> memref<128xi32, #tpu.memory_space<vmem>>
        %dma_start3A_339 = arith.constant 0 : i32
        %dma_start3A_340 = arith.constant 0 : i32
        %dma_start3A_341 = tpu.memref_slice %arg3[%dma_start3A_339, %dma_start3A_340] : memref<100000x128xf32, #tpu.memory_space<hbm>> -> memref<100000x128xf32, #tpu.memory_space<hbm>>
        tpu.enqueue_indirect_dma source(%dma_start3A_341 : memref<100000x128xf32, #tpu.memory_space<hbm>>) target(%dma_start3A_337 : memref<128x128xf32, #tpu.memory_space<vmem>>) offsets(%dma_start3A_338 : memref<128xi32, #tpu.memory_space<vmem>>) semaphore(%arg11 : memref<!tpu.dma_semaphore, #tpu.memory_space<semaphore_mem>>)
      } else {
      }
    }
    %scan3A_56 = arith.constant 10 : i32
    %dma_wait3A = arith.constant 0 : i32
    %dma_wait3A_57 = arith.constant 0 : i32
    %dma_wait3A_58 = arith.constant 0 : i32
    %dma_wait3A_59 = tpu.memref_slice %arg6[%dma_wait3A, %dma_wait3A_57, %dma_wait3A_58] : memref<5x128x128xf32, #tpu.memory_space<vmem>> -> memref<1x128x128xf32, #tpu.memory_space<vmem>>
    %dma_wait3A_60 = tpu.memref_squeeze %dma_wait3A_59 : memref<1x128x128xf32, #tpu.memory_space<vmem>> -> memref<128x128xf32, #tpu.memory_space<vmem>>
    %dma_wait3A_61 = arith.constant 0 : i32
    %dma_wait3A_62 = arith.constant 0 : i32
    %dma_wait3A_63 = tpu.memref_slice %arg4[%dma_wait3A_61, %dma_wait3A_62] : memref<204800x128xf32, #tpu.memory_space<hbm>> -> memref<128x128xf32, #tpu.memory_space<hbm>>
    %dma_wait3A_64 = arith.constant 0 : i32
    %dma_wait3A_65 = arith.constant 0 : i32
    %dma_wait3A_66 = tpu.memref_slice %arg4[%dma_wait3A_64, %dma_wait3A_65] : memref<204800x128xf32, #tpu.memory_space<hbm>> -> memref<128x128xf32, #tpu.memory_space<hbm>>
    %dma_wait3A_67 = arith.constant 0 : i32
    %dma_wait3A_68 = arith.constant 0 : i32
    %dma_wait3A_69 = tpu.memref_slice %arg6[%dma_wait3A, %dma_wait3A_67, %dma_wait3A_68] : memref<5x128x128xf32, #tpu.memory_space<vmem>> -> memref<1x128x128xf32, #tpu.memory_space<vmem>>
    %dma_wait3A_70 = tpu.memref_squeeze %dma_wait3A_69 : memref<1x128x128xf32, #tpu.memory_space<vmem>> -> memref<128x128xf32, #tpu.memory_space<vmem>>
    tpu.wait_dma2 semaphore(%arg12 : memref<!tpu.dma_semaphore, #tpu.memory_space<semaphore_mem>>) src(%dma_wait3A_70 : memref<128x128xf32, #tpu.memory_space<vmem>>) dst(%dma_wait3A_66 : memref<128x128xf32, #tpu.memory_space<hbm>>)
    %dma_wait3A_71 = arith.constant 1 : i32
    %dma_wait3A_72 = arith.constant 0 : i32
    %dma_wait3A_73 = arith.constant 0 : i32
    %dma_wait3A_74 = tpu.memref_slice %arg6[%dma_wait3A_71, %dma_wait3A_72, %dma_wait3A_73] : memref<5x128x128xf32, #tpu.memory_space<vmem>> -> memref<1x128x128xf32, #tpu.memory_space<vmem>>
    %dma_wait3A_75 = tpu.memref_squeeze %dma_wait3A_74 : memref<1x128x128xf32, #tpu.memory_space<vmem>> -> memref<128x128xf32, #tpu.memory_space<vmem>>
    %dma_wait3A_76 = arith.constant 0 : i32
    %dma_wait3A_77 = arith.constant 0 : i32
    %dma_wait3A_78 = tpu.memref_slice %arg4[%dma_wait3A_76, %dma_wait3A_77] : memref<204800x128xf32, #tpu.memory_space<hbm>> -> memref<128x128xf32, #tpu.memory_space<hbm>>
    %dma_wait3A_79 = arith.constant 0 : i32
    %dma_wait3A_80 = arith.constant 0 : i32
    %dma_wait3A_81 = tpu.memref_slice %arg4[%dma_wait3A_79, %dma_wait3A_80] : memref<204800x128xf32, #tpu.memory_space<hbm>> -> memref<128x128xf32, #tpu.memory_space<hbm>>
    %dma_wait3A_82 = arith.constant 0 : i32
    %dma_wait3A_83 = arith.constant 0 : i32
    %dma_wait3A_84 = tpu.memref_slice %arg6[%dma_wait3A_71, %dma_wait3A_82, %dma_wait3A_83] : memref<5x128x128xf32, #tpu.memory_space<vmem>> -> memref<1x128x128xf32, #tpu.memory_space<vmem>>
    %dma_wait3A_85 = tpu.memref_squeeze %dma_wait3A_84 : memref<1x128x128xf32, #tpu.memory_space<vmem>> -> memref<128x128xf32, #tpu.memory_space<vmem>>
    tpu.wait_dma2 semaphore(%arg13 : memref<!tpu.dma_semaphore, #tpu.memory_space<semaphore_mem>>) src(%dma_wait3A_85 : memref<128x128xf32, #tpu.memory_space<vmem>>) dst(%dma_wait3A_81 : memref<128x128xf32, #tpu.memory_space<hbm>>)
    %dma_wait3A_86 = arith.constant 2 : i32
    %dma_wait3A_87 = arith.constant 0 : i32
    %dma_wait3A_88 = arith.constant 0 : i32
    %dma_wait3A_89 = tpu.memref_slice %arg6[%dma_wait3A_86, %dma_wait3A_87, %dma_wait3A_88] : memref<5x128x128xf32, #tpu.memory_space<vmem>> -> memref<1x128x128xf32, #tpu.memory_space<vmem>>
    %dma_wait3A_90 = tpu.memref_squeeze %dma_wait3A_89 : memref<1x128x128xf32, #tpu.memory_space<vmem>> -> memref<128x128xf32, #tpu.memory_space<vmem>>
    %dma_wait3A_91 = arith.constant 0 : i32
    %dma_wait3A_92 = arith.constant 0 : i32
    %dma_wait3A_93 = tpu.memref_slice %arg4[%dma_wait3A_91, %dma_wait3A_92] : memref<204800x128xf32, #tpu.memory_space<hbm>> -> memref<128x128xf32, #tpu.memory_space<hbm>>
    %dma_wait3A_94 = arith.constant 0 : i32
    %dma_wait3A_95 = arith.constant 0 : i32
    %dma_wait3A_96 = tpu.memref_slice %arg4[%dma_wait3A_94, %dma_wait3A_95] : memref<204800x128xf32, #tpu.memory_space<hbm>> -> memref<128x128xf32, #tpu.memory_space<hbm>>
    %dma_wait3A_97 = arith.constant 0 : i32
    %dma_wait3A_98 = arith.constant 0 : i32
    %dma_wait3A_99 = tpu.memref_slice %arg6[%dma_wait3A_86, %dma_wait3A_97, %dma_wait3A_98] : memref<5x128x128xf32, #tpu.memory_space<vmem>> -> memref<1x128x128xf32, #tpu.memory_space<vmem>>
    %dma_wait3A_100 = tpu.memref_squeeze %dma_wait3A_99 : memref<1x128x128xf32, #tpu.memory_space<vmem>> -> memref<128x128xf32, #tpu.memory_space<vmem>>
    tpu.wait_dma2 semaphore(%arg14 : memref<!tpu.dma_semaphore, #tpu.memory_space<semaphore_mem>>) src(%dma_wait3A_100 : memref<128x128xf32, #tpu.memory_space<vmem>>) dst(%dma_wait3A_96 : memref<128x128xf32, #tpu.memory_space<hbm>>)
    %dma_wait3A_101 = arith.constant 3 : i32
    %dma_wait3A_102 = arith.constant 0 : i32
    %dma_wait3A_103 = arith.constant 0 : i32
    %dma_wait3A_104 = tpu.memref_slice %arg6[%dma_wait3A_101, %dma_wait3A_102, %dma_wait3A_103] : memref<5x128x128xf32, #tpu.memory_space<vmem>> -> memref<1x128x128xf32, #tpu.memory_space<vmem>>
    %dma_wait3A_105 = tpu.memref_squeeze %dma_wait3A_104 : memref<1x128x128xf32, #tpu.memory_space<vmem>> -> memref<128x128xf32, #tpu.memory_space<vmem>>
    %dma_wait3A_106 = arith.constant 0 : i32
    %dma_wait3A_107 = arith.constant 0 : i32
    %dma_wait3A_108 = tpu.memref_slice %arg4[%dma_wait3A_106, %dma_wait3A_107] : memref<204800x128xf32, #tpu.memory_space<hbm>> -> memref<128x128xf32, #tpu.memory_space<hbm>>
    %dma_wait3A_109 = arith.constant 0 : i32
    %dma_wait3A_110 = arith.constant 0 : i32
    %dma_wait3A_111 = tpu.memref_slice %arg4[%dma_wait3A_109, %dma_wait3A_110] : memref<204800x128xf32, #tpu.memory_space<hbm>> -> memref<128x128xf32, #tpu.memory_space<hbm>>
    %dma_wait3A_112 = arith.constant 0 : i32
    %dma_wait3A_113 = arith.constant 0 : i32
    %dma_wait3A_114 = tpu.memref_slice %arg6[%dma_wait3A_101, %dma_wait3A_112, %dma_wait3A_113] : memref<5x128x128xf32, #tpu.memory_space<vmem>> -> memref<1x128x128xf32, #tpu.memory_space<vmem>>
    %dma_wait3A_115 = tpu.memref_squeeze %dma_wait3A_114 : memref<1x128x128xf32, #tpu.memory_space<vmem>> -> memref<128x128xf32, #tpu.memory_space<vmem>>
    tpu.wait_dma2 semaphore(%arg15 : memref<!tpu.dma_semaphore, #tpu.memory_space<semaphore_mem>>) src(%dma_wait3A_115 : memref<128x128xf32, #tpu.memory_space<vmem>>) dst(%dma_wait3A_111 : memref<128x128xf32, #tpu.memory_space<hbm>>)
    %dma_wait3A_116 = arith.constant 4 : i32
    %dma_wait3A_117 = arith.constant 0 : i32
    %dma_wait3A_118 = arith.constant 0 : i32
    %dma_wait3A_119 = tpu.memref_slice %arg6[%dma_wait3A_116, %dma_wait3A_117, %dma_wait3A_118] : memref<5x128x128xf32, #tpu.memory_space<vmem>> -> memref<1x128x128xf32, #tpu.memory_space<vmem>>
    %dma_wait3A_120 = tpu.memref_squeeze %dma_wait3A_119 : memref<1x128x128xf32, #tpu.memory_space<vmem>> -> memref<128x128xf32, #tpu.memory_space<vmem>>
    %dma_wait3A_121 = arith.constant 0 : i32
    %dma_wait3A_122 = arith.constant 0 : i32
    %dma_wait3A_123 = tpu.memref_slice %arg4[%dma_wait3A_121, %dma_wait3A_122] : memref<204800x128xf32, #tpu.memory_space<hbm>> -> memref<128x128xf32, #tpu.memory_space<hbm>>
    %dma_wait3A_124 = arith.constant 0 : i32
    %dma_wait3A_125 = arith.constant 0 : i32
    %dma_wait3A_126 = tpu.memref_slice %arg4[%dma_wait3A_124, %dma_wait3A_125] : memref<204800x128xf32, #tpu.memory_space<hbm>> -> memref<128x128xf32, #tpu.memory_space<hbm>>
    %dma_wait3A_127 = arith.constant 0 : i32
    %dma_wait3A_128 = arith.constant 0 : i32
    %dma_wait3A_129 = tpu.memref_slice %arg6[%dma_wait3A_116, %dma_wait3A_127, %dma_wait3A_128] : memref<5x128x128xf32, #tpu.memory_space<vmem>> -> memref<1x128x128xf32, #tpu.memory_space<vmem>>
    %dma_wait3A_130 = tpu.memref_squeeze %dma_wait3A_129 : memref<1x128x128xf32, #tpu.memory_space<vmem>> -> memref<128x128xf32, #tpu.memory_space<vmem>>
    tpu.wait_dma2 semaphore(%arg16 : memref<!tpu.dma_semaphore, #tpu.memory_space<semaphore_mem>>) src(%dma_wait3A_130 : memref<128x128xf32, #tpu.memory_space<vmem>>) dst(%dma_wait3A_126 : memref<128x128xf32, #tpu.memory_space<hbm>>)
    return
  }
}

</mosaic_0001>

<sc_bundles>
// kernel: kernel.3.cloned.1.call-start
scs
__scs_entry_jumppad:
0x0: {  	(pc) =	sbr.rel $0x88, $3  }
0x1: {  	(tag) =	ssettag $0x0;
	lr =	simm.s32 $0x1  }
0x2: {  	[smem:$0x3F9F] =	sst lr;
	_ =	strace $0xD0000000  }
0x3: {  	_ = 	snop  }
0x4: {  	_ = 	snop  }
0x5: {  	_ = 	snop  }
0x6: {  	_ = 	snop  }
0x7: {  	_ = 	snop  }
__scs_overlays_trampoline_lowered:
0x8: {  	[smem:$0x3FAE] =	sst s0  }
0x9: {  	[smem:$0x3FAF] =	sst s1  }
0xa: {  	[smem:$0x3FB0] =	sst s2  }
0xb: {  	[smem:$0x3FB1] =	sst s3  }
0xc: {  	[smem:$0x3FB2] =	sst s4  }
0xd: {  	[smem:$0x3FB3] =	sst s5  }
0xe: {  	[smem:$0x3FB4] =	sst s6  }
0xf: {  	[smem:$0x3FB5] =	sst s7  }
0x10: {  	[smem:$0x3FB6] =	sst s8  }
0x11: {  	[smem:$0x3FB7] =	sst s9;
	s0 =	simm.s32 @!p0 $0x0  }
0x12: {  	s1 =	sld [smem:$0x3F9D];
	s0 =	simm.s32 @p0 $0x1  }
0x13: {  	[smem:$0x3FB8] =	sst s0;
	s0 =	simm.s32 @!p1 $0x0  }
0x14: {  	s2 =	sld [smem:$0x3F9C];
	s0 =	simm.s32 @p1 $0x1  }
0x15: {  	[smem:$0x3FB9] =	sst s0;
	s0 =	simm.s32 @!p2 $0x0  }
0x16: {  	s3 =	sld [smem:$0x3FDB];
	s0 =	simm.s32 @p2 $0x1  }
0x17: {  	s4 =	simm.s32 $0x1BF5;
	[smem:$0x3FBB] =	sst s0  }
0x18: {  	s0 =	sld [smem:$0x3F9E];
	_ =	swait.ge [sflag:s4], $0x0  }
0x19: {  	s7 =	sld [smem:$0x3F9F]  }
0x1a: {  	s8 =	sadd.s32 $0xFFFFE003, lr  }
0x1b: {  	s9 =	sadd.s32 $0xFFFFFEF7, lr;
	s5 =	simm.s32 $0xFFFFFFFF;
	p2 =	slt.u32 s8, $0xFFFFF086  }
0x1c: {  	p1 =	slt.u32 s9, $0xF7A;
	s5 =	simm.s32 @!p2 $0x0  }
0x1d: {  	s5 =	simm.s32 @p1 $0x1;
	p0 =	seq.s32 s7, s2  }
0x1e: {  	s7 =	smul.u32 @!p0 $0xF7A, s2;
	p2 =	seq.s32 @!p0 s5, $0x0  }
0x1f: {  	s9 =	smul.u32 $0xF7A, s1;
	s8 =	simm.s32 @!p0 $0x1BF5;
	p2 =	por !p2, p0  }
0x20: {  	[sflag:s8] =	ssyncset.s32 @!p0 $0xFFFFF086;
	s6 =	sadd.s32 @!p0 s3, s7;
	s7 =	simm.s32 @!p0 $0x108  }
0x21: {  	s3 =	sadd.s32 s3, s9;
	s6 =	sadd.s32 @!p0 $0x88, s6;
	s7 =	simm.s32 @p2 $0x1082  }
0x22: {  	[simem:s7], [sflag:s8] =	dma.local @!p0 [hbm:s6], $0xF7A  }
0x23: {  	s9 =	sor.u32 $0xD0000000, s2;
	s6 =	simm.s32 $0x108;
	_ =	swait.ge @!p0 [sflag:s8], $0x0  }
0x24: {  	s3 =	sadd.s32 $0x88, s3;
	s6 =	simm.s32 @!p1 $0x1082;
	[sflag:s4] =	ssyncset.s32 $0xFFFFF086  }
0x25: {  	[simem:s6], [sflag:s4] =	dma.local [hbm:s3], $0xF7A  }
0x26: {  	[smem:$0x3F9F] =	sst s1;
	(tag) =	ssettag s2;
	_ =	strace s9  }
0x27: {  	s1 =	sld [smem:$0x3FAF]  }
0x28: {  	s2 =	sld [smem:$0x3FB0]  }
0x29: {  	s4 =	sld [smem:$0x3FB2]  }
0x2a: {  	p0 =	seq.s32 s5, $0x0;
	s5 =	sld [smem:$0x3FB3]  }
0x2b: {  	s6 =	sld [smem:$0x3FB4]  }
0x2c: {  	s7 =	sld [smem:$0x3FB5]  }
0x2d: {  	s3 =	simm.s32 $0x108;
	s8 =	sld [smem:$0x3FB6]  }
0x2e: {  	s3 =	simm.s32 @!p0 $0x1082;
	s9 =	sld [smem:$0x3FB7]  }
0x2f: {  	lr =	sadd.s32 s0, s3;
	s0 =	sld [smem:$0x3FAE]  }
0x30: {  	s3 =	sld [smem:$0x3FB1]  }
0x31: {  	[smem:$0x3FBA] =	sst s10  }
0x32: {  	s10 =	sld [smem:$0x3FB8];
	_ =	sdelay $0x3  }
0x33: {  	p0 =	seq.s32 s10, $0x1;
	s10 =	sld [smem:$0x3FBA];
	_ =	sdelay $0x3  }
0x34: {  	[smem:$0x3FBA] =	sst s10  }
0x35: {  	s10 =	sld [smem:$0x3FB9];
	_ =	sdelay $0x3  }
0x36: {  	p1 =	seq.s32 s10, $0x1;
	s10 =	sld [smem:$0x3FBA];
	_ =	sdelay $0x3  }
0x37: {  	[smem:$0x3FBA] =	sst s10  }
0x38: {  	s10 =	sld [smem:$0x3FBB]  }
0x39: {  	_ = 	snop;
	(pc) =	sbr.ind lr, $3  }
0x3a: {  	_ = 	snop  }
0x3b: {  	_ = 	snop  }
0x3c: {  	p2 =	seq.s32 s10, $0x1;
	s10 =	sld [smem:$0x3FBA]  }
0x3d: {  	_ =	shalt  }
0x3e: {  	_ =	shalt  }
0x3f: {  	_ =	shalt  }
0x40: {  	_ =	shalt  }
0x41: {  	_ =	shalt  }
0x42: {  	_ =	shalt  }
0x43: {  	_ =	shalt  }
0x44: {  	_ =	shalt  }
0x45: {  	_ =	shalt  }
0x46: {  	_ =	shalt  }
0x47: {  	_ =	shalt  }
0x48: {  	_ =	shalt  }
0x49: {  	_ =	shalt  }
0x4a: {  	_ =	shalt  }
0x4b: {  	_ =	shalt  }
0x4c: {  	_ =	shalt  }
0x4d: {  	_ =	shalt  }
0x4e: {  	_ =	shalt  }
0x4f: {  	_ =	shalt  }
0x50: {  	_ =	shalt  }
0x51: {  	_ =	shalt  }
0x52: {  	_ =	shalt  }
0x53: {  	_ =	shalt  }
0x54: {  	_ =	shalt  }
0x55: {  	_ =	shalt  }
0x56: {  	_ =	shalt  }
0x57: {  	_ =	shalt  }
0x58: {  	_ =	shalt  }
0x59: {  	_ =	shalt  }
0x5a: {  	_ =	shalt  }
0x5b: {  	_ =	shalt  }
0x5c: {  	_ =	shalt  }
0x5d: {  	_ =	shalt  }
0x5e: {  	_ =	shalt  }
0x5f: {  	_ =	shalt  }
0x60: {  	_ =	shalt  }
0x61: {  	_ =	shalt  }
0x62: {  	_ =	shalt  }
0x63: {  	_ =	shalt  }
0x64: {  	_ =	shalt  }
0x65: {  	_ =	shalt  }
0x66: {  	_ =	shalt  }
0x67: {  	_ =	shalt  }
0x68: {  	_ =	shalt  }
0x69: {  	_ =	shalt  }
0x6a: {  	_ =	shalt  }
0x6b: {  	_ =	shalt  }
0x6c: {  	_ =	shalt  }
0x6d: {  	_ =	shalt  }
0x6e: {  	_ =	shalt  }
0x6f: {  	_ =	shalt  }
0x70: {  	_ =	shalt  }
0x71: {  	_ =	shalt  }
0x72: {  	_ =	shalt  }
0x73: {  	_ =	shalt  }
0x74: {  	_ =	shalt  }
0x75: {  	_ =	shalt  }
0x76: {  	_ =	shalt  }
0x77: {  	_ =	shalt  }
0x78: {  	_ =	shalt  }
0x79: {  	_ =	shalt  }
0x7a: {  	_ =	shalt  }
0x7b: {  	_ =	shalt  }
0x7c: {  	_ =	shalt  }
0x7d: {  	_ =	shalt  }
0x7e: {  	_ =	shalt  }
0x7f: {  	_ =	shalt  }
0x80: {  	_ =	shalt  }
0x81: {  	_ =	shalt  }
0x82: {  	_ =	shalt  }
0x83: {  	_ =	shalt  }
0x84: {  	_ =	shalt  }
0x85: {  	_ =	shalt  }
0x86: {  	_ =	shalt  }
0x87: {  	_ =	shalt  }
.Lfunc_end0:
.L_simem_size_0:
called_computation_lowered:
.L_overlay_start_0:
0x88: {  	s2 =	sld [smem:$0x3FD9]  }
0x89: {  	s3 =	sld [smem:$0x3FFE];
	_ =	sdelay $0x1  }
0x8a: {  	s1 =	srdreg.scid  }
0x8b: {  	s0 =	sand.u32 $0x1, s1  }
0x8c: {  	s17 =	sshll.u32 s0, $0xA;
	s2 =	sadd.s32 s3, s2  }
0x8d: {  	s2 =	sadd.s32 s2, s17  }
0x8e: {  	[smem:$0x3FC6] =	sst s2  }
0x8f: {  	_ = 	snop  }
0x90: {  	s2 =	sld [smem:$0x3FC8]  }
0x91: {  	s18 =	sld [smem:$0x3FD0];
	(tm) =	ssettm $0x1  }
0x92: {  	s4 =	sld [smem:$0x3FFB];
	_ =	sdelay $0x3  }
0x93: {  	_ =	strace s4  }
0x94: {  	s4 =	sld [smem:$0x3FFC];
	_ =	sdelay $0x3  }
0x95: {  	_ =	strace s4  }
0x96: {  	s4 =	sld [smem:$0x3FFD];
	_ =	sdelay $0x3  }
0x97: {  	_ =	strace s4  }
0x98: {  	_ =	strace $0x8FFFFFFF  }
0x99: {  	s19 =	sld [smem:$0x3FDB];
	_ =	sdelay $0x1  }
0x9a: {  	s5 =	simm.s32 $_scs_section_size  }
0x9b: {  	s6 =	simm.s32 $_size__tile_overlayer_lowered;
	s7 =	simm.s32 $_tile_overlayer_lowered  }
0x9c: {  	s22 =	simm.s32 $0x1BFF;
	s21 =	sshll.u32 s7, $0x1;
	s4 =	sadd.s32 s5, s19  }
0x9d: {  	s8 =	simm.s32 $0x0;
	s20 =	sshll.u32 s6, $0x1;
	s6 =	sadd.s32 s21, s4  }
0x9e: {  	[timem:s8], [sflag:s22] =	dma.local [hbm:s6], s20  }
0x9f: {  	_ =	swait.ge [sflag:s22], s20  }
0xa0: {  	s5 =	ssub.s32 $0x0, s20;
	[sflag:s22] =	ssyncset.done $0x0  }
0xa1: {  	[sflag:s22] =	ssyncadd.s32 s5;
	_ =	sdelay $0x1  }
0xa2: {  	s23 =	simm.s32 $0x1B8B  }
0xa3: {  	_ =	swait.ge [sflag:s23], $0x1  }
0xa4: {  	[sflag:s23] =	ssyncset.done $0x0  }
0xa5: {  	s25 =	simm.s32 $0x1B8E;
	s24 =	sld [smem:$0x3FFE];
	[sflag:s23] =	ssyncadd.s32 $0xFFFFFFFF  }
0xa6: {  	s26 =	simm.s32 $execute0_lowered;
	[smem:$0x3FD2] =	sst s25  }
0xa7: {  	s6 =	sshll.u32 s26, $0x1;
	_ =	strace $0x80000046;
	[dreg:$0x1] =	wrdreg $0xFFFFFFFF  }
0xa8: {  	s28 =	simm.s32 $_size_execute0_lowered;
	s4 =	sadd.s32 s4, s6;
	[dreg:$0x0] =	wrdreg $0x0  }
0xa9: {  	s6 =	sshll.u32 s28, $0x1;
	[dreg:$0x2] =	wrdreg s4  }
0xaa: {  	[dreg:$0x3] =	wrdreg s6  }
0xab: {  	[dreg:$0x4] =	wrdreg $0xC0  }
0xac: {  	_ =	task [dreg:s8], $0x5FFFF  }
0xad: {  	[dreg:$0x1] =	wrdreg $0xFFFFFFFF  }
0xae: {  	[dreg:$0x0] =	wrdreg $0x60  }
0xaf: {  	[dreg:$0x2] =	wrdreg s24  }
0xb0: {  	[dreg:$0x3] =	wrdreg s2  }
0xb1: {  	[dreg:$0x4] =	wrdreg s18  }
0xb2: {  	[dreg:$0x5] =	wrdreg $0x9  }
0xb3: {  	_ =	task.clear_ibuf [dreg:s8], $0x6FFFF;
	_ =	strace $0x90000046  }
0xb4: {  	s29 =	simm.s32 $0x9;
	_ =	strace $0x80000048  }
0xb5: {  	_ =	swait.ge [sflag:s29], $0x1  }
0xb6: {  	[sflag:s29] =	ssyncadd.s32 $0xFFFFFFFF  }
0xb7: {  	_ =	strace $0x90000048  }
0xb8: {  	_ =	sfence  }
0xb9: {  	s30 =	sld [smem:$0x0];
	_ =	sdelay $0x2  }
0xba: {  	s31 =	sshll.u32 s1, $0xD;
	s1 =	sshrl.u32 s1, $0x2  }
0xbb: {  	s3 =	sand.u32 $0x4000, s31;
	s1 =	sadd.s32 s1, s30  }
0xbc: {  	s0 =	sor.u32 s3, s0;
	s1 =	sshll.u32 s1, $0x11  }
0xbd: {  	s0 =	sor.u32 s1, s0  }
0xbe: {  	s0 =	sadd.s32 $0x8F2B, s0  }
0xbf: {  	[sflag:s0] =	ssyncadd.remote.s32 $0x1  }
0xc0: {  	_ =	sfence.sel $0xFFFF  }
0xc1: {  	[dreg:$0x0] =	wrdreg $0xFFFFFFFF;
	(pc) =	sbr.abs _section_cstart, $3  }
0xc2: {  	[dreg:$0x1] =	wrdreg $0xFFFFFFFF  }
0xc3: {  	_ =	task.clear_ibuf [dreg:s8], $0x2FFFF;
	_ =	strace $0x9FFFFFFF  }
0xc4: {  	(tm) =	ssettm $0x7FFFFFFF  }
0xc5: {  	_ =	shalt  }
tec
execute0_lowered:
.L_overlay_start_1:
0x0: {  	(tag) =	ssettag $0x1  }
0x1: {  	s4 =	rddreg [dreg:$0x0]  }
0x2: {  	s2 =	rddreg [dreg:$0x1];
	s1 =	srdreg.scid  }
0x3: {  	s0 =	stileid.u32;
	s5 =	rddreg [dreg:$0x2];
	s3 =	simm.s32 $0x0  }
0x4: {  	s14 =	simm.s32 $0x9900;
	s16 =	simm.s32 $0xD900;
	s17 =	simm.s32 $0x200  }
0x5: {  	s18 =	simm.s32 $0x11900;
	s19 =	simm.s32 $0x1;
	s20 =	simm.s32 $0x3  }
0x6: {  	s21 =	simm.s32 $0x5;
	s22 =	simm.s32 $0x6;
	s23 =	simm.s32 $0x7  }
0x7: {  	s24 =	simm.s32 $0x8;
	s25 =	simm.s32 $0x9;
	s28 =	simm.s32 $0x0  }
0x8: {  	s6 =	sand.u32 $0x1, s1;
	s7 =	sshll.u32 s0, $0x1;
	s11 =	smul.u32 $0x32000, s0  }
0x9: {  	[smem:$0x7FF] =	sst s3;
	s7 =	sor.u32 s6, s7;
	s29 =	smul.u32 $0x19000, s6  }
0xa: {  	_ =	strace $0x80000047;
	s9 =	ssub.s32 $0x2, s6;
	s8 =	smul.u32 $0x1900, s7  }
0xb: {  	s7 =	smul.u32 $0x19000, s7;
	s10 =	sshrl.u32 s9, $0x1;
	s30 =	sadd.s32 s11, s5  }
.Ltmp0:
0xc: {  	s11 =	simm.s32 $0x1900;
	s26 =	ssub.s32 s9, s10;
	(pc) =	sbr.rel .LBB2_1-.Ltmp0, $4  }
0xd: {  	s31 =	sadd.s32 s29, s30;
	s9 =	simm.s32 $0xB;
	s10 =	simm.s32 $0x80  }
0xe: {  	s8 =	sshrl.u32 s8, $0x3;
	s7 =	sadd.s32 s5, s7;
	s5 =	smax.u32 s26, $0x1  }
0xf: {  	s26 =	simm.s32 $0xA;
	s4 =	sadd.s32 s8, s4;
	s6 =	sadd.s32 $0x17000, s7  }
0x10: {  	s7 =	sadd.s32 $0x18000, s7;
	s8 =	sadd.s32 $0x2000, s31;
	s4 =	sadd.s32 $0x400, s4  }
.LBB2_4:
0x11: {  	_ =	swait.ge [sflag:s22], $0x4000  }
0x12: {  	[sflag:s22] =	ssyncset.done $0x0  }
0x13: {  	[sflag:s22] =	ssyncadd.s32 $0xFFFFC000  }
0x14: {  	_ =	swait.ge [sflag:s23], $0x4000  }
0x15: {  	[sflag:s23] =	ssyncset.done $0x0  }
0x16: {  	[sflag:s23] =	ssyncadd.s32 $0xFFFFC000  }
0x17: {  	_ =	swait.ge [sflag:s24], $0x4000  }
0x18: {  	[sflag:s24] =	ssyncset.done $0x0  }
0x19: {  	s28 =	sadd.s32 $0x1, s28;
	[sflag:s24] =	ssyncadd.s32 $0xFFFFC000  }
0x1a: {  	p0 =	sne.s32 s28, s5;
	_ =	swait.ge [sflag:s25], $0x4000  }
.Ltmp1:
0x1b: {  	[sflag:s25] =	ssyncset.done $0x0;
	(pc) =	sbr.rel @!p0 .LBB2_5-.Ltmp1, $4  }
0x1c: {  	[sflag:s25] =	ssyncadd.s32 $0xFFFFC000  }
0x1d: {  	_ =	swait.ge [sflag:s26], $0x4000  }
0x1e: {  	[sflag:s26] =	ssyncset.done $0x0  }
0x1f: {  	[sflag:s26] =	ssyncadd.s32 $0xFFFFC000  }
.LBB2_1:
0x20: {  	[tilespmem:s3], [sflag:$0xB] =	stream.linear.gather [hbm4b:s4+s3], $0x1900, $0x38;
	[tilespmem:$0x15900] =	vst v63  }
0x21: {  	_ =	swait.ge [sflag:s9], $0x1900  }
0x22: {  	[sflag:s9] =	ssyncset.done $0x0  }
0x23: {  	[sflag:s9] =	ssyncadd.s32 $0xFFFFE700  }
0x24: {  	[tilespmem:s11], [sflag:$0x1] =	stream.indirect.gather [hbm4b:s2+s10], $0x80, s3, s10, $0xb8;
	[tilespmem:$0x15900] =	vst v63  }
0x25: {  	s0 =	simm.s32 $0x5900  }
0x26: {  	[tilespmem:s0], [sflag:$0x2] =	stream.indirect.gather [hbm4b:s2+s10], $0x80, s10, s10, $0xb8;
	[tilespmem:$0x15900] =	vst v63  }
0x27: {  	s15 =	simm.s32 $0x100  }
0x28: {  	[tilespmem:s14], [sflag:$0x3] =	stream.indirect.gather [hbm4b:s2+s10], $0x80, s15, s10, $0xb8;
	[tilespmem:$0x15900] =	vst v63  }
0x29: {  	s31 =	simm.s32 $0x180  }
0x2a: {  	[tilespmem:s16], [sflag:$0x4] =	stream.indirect.gather [hbm4b:s2+s10], $0x80, s31, s10, $0xb8;
	[tilespmem:$0x15900] =	vst v63  }
0x2b: {  	s29 =	smov.u32 s8;
	s30 =	simm.s32 $0x0  }
0x2c: {  	[tilespmem:s18], [sflag:$0x5] =	stream.indirect.gather [hbm4b:s2+s10], $0x80, s17, s10, $0xb8;
	[tilespmem:$0x15900] =	vst v63  }
.LBB2_2:
0x2d: {  	_ =	swait.ge [sflag:s19], $0x4000  }
0x2e: {  	[sflag:s19] =	ssyncset.done $0x0  }
0x2f: {  	s31 =	sadd.s32 $0xFFFFE000, s29;
	p0 =	seq.s32 s30, $0x5A00;
	[sflag:s19] =	ssyncadd.s32 $0xFFFFC000  }
0x30: {  	[hbm4b:s31+s3] =	stream.linear.scatter [tilespmem:s11], [sflag:$0x6], $0x4000, $0x38;
	[tilespmem:$0x15900] =	vst v63  }
0x31: {  	s31 =	simm.s32 @p0 $0x2  }
0x32: {  	_ =	swait.ge @p0 [sflag:s31], $0x4000  }
0x33: {  	[sflag:s31] =	ssyncset.done @p0 $0x0  }
0x34: {  	s1 =	simm.s32 @p0 $0x5900;
	[sflag:s31] =	ssyncadd.s32 @p0 $0xFFFFC000;
	s31 =	simm.s32 @p0 $0x0  }
0x35: {  	[hbm4b:s6+s31] =	stream.linear.scatter @p0 [tilespmem:s1], [sflag:$0x7], $0x4000, $0x38;
	[tilespmem:$0x15900] =	vst v63  }
0x36: {  	s1 =	simm.s32 @!p0 $0x6  }
0x37: {  	_ =	swait.ge @!p0 [sflag:s1], $0x4000  }
0x38: {  	[sflag:s1] =	ssyncset.done @!p0 $0x0  }
0x39: {  	[sflag:s1] =	ssyncadd.s32 @!p0 $0xFFFFC000;
	s1 =	sshra.s32 @!p0 s30, $0x2  }
0x3a: {  	s12 =	simm.s32 @!p0 $0x80;
	s13 =	simm.s32 @!p0 $0x1900;
	s0 =	sadd.s32 @!p0 $0x280, s1  }
0x3b: {  	[tilespmem:s13], [sflag:$0x1] =	stream.indirect.gather @!p0 [hbm4b:s2+s12], $0x80, s0, s12, $0xb8;
	[tilespmem:$0x15900] =	vst v63  }
0x3c: {  	s0 =	simm.s32 @!p0 $0x2  }
0x3d: {  	_ =	swait.ge @!p0 [sflag:s0], $0x4000  }
0x3e: {  	s15 =	simm.s32 @!p0 $0x5900;
	[sflag:s0] =	ssyncset.done @!p0 $0x0  }
0x3f: {  	s13 =	simm.s32 @!p0 $0x0;
	[sflag:s0] =	ssyncadd.s32 @!p0 $0xFFFFC000;
	s0 =	sadd.s32 @!p0 $0xFFFFE800, s29  }
0x40: {  	[hbm4b:s0+s13] =	stream.linear.scatter @!p0 [tilespmem:s15], [sflag:$0x7], $0x4000, $0x38;
	[tilespmem:$0x15900] =	vst v63  }
0x41: {  	s0 =	simm.s32 @!p0 $0x7  }
0x42: {  	_ =	swait.ge @!p0 [sflag:s0], $0x4000  }
0x43: {  	[sflag:s0] =	ssyncset.done @!p0 $0x0  }
0x44: {  	[sflag:s0] =	ssyncadd.s32 @!p0 $0xFFFFC000;
	s0 =	sadd.s32 @!p0 $0x300, s1  }
0x45: {  	[tilespmem:s15], [sflag:$0x2] =	stream.indirect.gather @!p0 [hbm4b:s2+s12], $0x80, s0, s12, $0xb8;
	[tilespmem:$0x15900] =	vst v63  }
0x46: {  	_ =	swait.ge [sflag:s20], $0x4000  }
0x47: {  	[sflag:s20] =	ssyncset.done $0x0  }
0x48: {  	s15 =	sadd.s32 $0xFFFFF000, s29;
	s0 =	simm.s32 @p0 $0x4;
	[sflag:s20] =	ssyncadd.s32 $0xFFFFC000  }
0x49: {  	[hbm4b:s15+s3] =	stream.linear.scatter [tilespmem:s14], [sflag:$0x8], $0x4000, $0x38;
	[tilespmem:$0x15900] =	vst v63  }
0x4a: {  	_ =	swait.ge @p0 [sflag:s0], $0x4000  }
0x4b: {  	[sflag:s0] =	ssyncset.done @p0 $0x0  }
0x4c: {  	[sflag:s0] =	ssyncadd.s32 @p0 $0xFFFFC000;
	s0 =	simm.s32 @p0 $0xD900  }
0x4d: {  	[hbm4b:s7+s31] =	stream.linear.scatter @p0 [tilespmem:s0], [sflag:$0x9], $0x4000, $0x38;
	[tilespmem:$0x15900] =	vst v63  }
0x4e: {  	s0 =	simm.s32 @!p0 $0x8  }
0x4f: {  	_ =	swait.ge @!p0 [sflag:s0], $0x4000  }
0x50: {  	[sflag:s0] =	ssyncset.done @!p0 $0x0  }
0x51: {  	s15 =	simm.s32 @!p0 $0x9900;
	[sflag:s0] =	ssyncadd.s32 @!p0 $0xFFFFC000;
	s0 =	sadd.s32 @!p0 $0x380, s1  }
0x52: {  	[tilespmem:s15], [sflag:$0x3] =	stream.indirect.gather @!p0 [hbm4b:s2+s12], $0x80, s0, s12, $0xb8;
	[tilespmem:$0x15900] =	vst v63  }
0x53: {  	s0 =	simm.s32 @!p0 $0x4  }
0x54: {  	_ =	swait.ge @!p0 [sflag:s0], $0x4000  }
0x55: {  	[sflag:s0] =	ssyncset.done @!p0 $0x0  }
0x56: {  	s15 =	simm.s32 @!p0 $0xD900;
	[sflag:s0] =	ssyncadd.s32 @!p0 $0xFFFFC000;
	s0 =	sadd.s32 @!p0 $0xFFFFF800, s29  }
0x57: {  	[hbm4b:s0+s13] =	stream.linear.scatter @!p0 [tilespmem:s15], [sflag:$0x9], $0x4000, $0x38;
	[tilespmem:$0x15900] =	vst v63  }
0x58: {  	s0 =	simm.s32 @!p0 $0x9  }
0x59: {  	_ =	swait.ge @!p0 [sflag:s0], $0x4000  }
0x5a: {  	[sflag:s0] =	ssyncset.done @!p0 $0x0  }
0x5b: {  	[sflag:s0] =	ssyncadd.s32 @!p0 $0xFFFFC000;
	s0 =	sadd.s32 @!p0 $0x400, s1  }
0x5c: {  	[tilespmem:s15], [sflag:$0x4] =	stream.indirect.gather @!p0 [hbm4b:s2+s12], $0x80, s0, s12, $0xb8;
	[tilespmem:$0x15900] =	vst v63  }
.Ltmp2:
0x5d: {  	_ = 	snop;
	(pc) =	sbr.rel @p0 .LBB2_4-.Ltmp2, $4  }
0x5e: {  	_ =	swait.ge [sflag:s21], $0x4000  }
0x5f: {  	[sflag:s21] =	ssyncset.done $0x0  }
0x60: {  	[sflag:s21] =	ssyncadd.s32 $0xFFFFC000  }
0x61: {  	[hbm4b:s29+s3] =	stream.linear.scatter [tilespmem:s18], [sflag:$0xA], $0x4000, $0x38;
	[tilespmem:$0x15900] =	vst v63  }
.Ltmp3:
0x62: {  	(pc) =	sbr.rel .LBB2_2-.Ltmp3, $4  }
0x63: {  	_ =	swait.ge [sflag:s26], $0x4000  }
0x64: {  	s0 =	sshra.s32 s30, $0x2;
	s30 =	sadd.s32 $0xA00, s30;
	[sflag:s26] =	ssyncset.done $0x0  }
0x65: {  	s29 =	sadd.s32 $0x2800, s29;
	s0 =	sadd.s32 $0x480, s0;
	[sflag:s26] =	ssyncadd.s32 $0xFFFFC000  }
0x66: {  	[tilespmem:s18], [sflag:$0x5] =	stream.indirect.gather [hbm4b:s2+s10], $0x80, s0, s10, $0xb8;
	[tilespmem:$0x15900] =	vst v63  }
.LBB2_5:
0x67: {  	_ =	sfence.sel $0x180000  }
0x68: {  	[bflag:$0x0] =	sbarrier.arrive $0xFFFF  }
0x69: {  	_ =	strace $0x90000047  }
0x6a: {  	s0 =	stileid.u32;
	[bflag:$0x2] =	sbarrier.arrive $0xFFFF  }
0x6b: {  	p0 =	sne.s32 s0, $0x0;
	s0 =	rddreg [dreg:$0x3]  }
0x6c: {  	s0 =	sadd.s32 @!p0 $0x100000, s0  }
0x6d: {  	[sflag:s0] =	ssyncadd.tile.s32 @!p0 $0x1;
	_ =	shalt  }
.Lfunc_end2:
_tile_overlayer_lowered:
.L_overlay_start_2:
0x6e: {  	(tag) =	ssettag $0x2  }
0x6f: {  	s0 =	rddreg [dreg:$0x0];
	s2 =	stileid.u32  }
0x70: {  	s1 =	rddreg [dreg:$0x1];
	p0 =	sne.s32 s2, $0x0  }
0x71: {  	s3 =	rddreg [dreg:$0x2];
	[bflag:$0x3] =	sbarrier.arrive $0xFFFF;
	s2 =	simm.s32 @!p0 $0x1C0B  }
0x72: {  	[timem:s3], [sflag:s2] =	dma.local @!p0 [hbm:s0], s1  }
0x73: {  	s0 =	simm.s32 @!p0 $0xB  }
0x74: {  	_ =	swait.ge @!p0 [sflag:s0], s1  }
0x75: {  	s1 =	ssub.s32 @!p0 $0x0, s1;
	[sflag:s0] =	ssyncset.done @!p0 $0x0  }
0x76: {  	[sflag:s0] =	ssyncadd.s32 @!p0 s1  }
0x77: {  	[bflag:$0x3] =	sbarrier.arrive $0xFFFF  }
0x78: {  	_ =	shalt  }

</sc_bundles>
